<compile_context>
chip_gen: v7x
topology: tpu7x:2x2x1
jax: 0.10.2.dev20260603
libtpu: 0.0.44.dev20260713+nightly
codegen_flags: <defaults>
</compile_context>

<pallas_src>
import numpy as np
import jax
import jax.numpy as jnp
from jax import lax
from jax.experimental import pallas as pl
from jax.experimental.pallas import tpu as pltpu
from jax.experimental.pallas import tpu_sc as plsc

N = 10000
E = 320000
DF = 128
NGR = 16
NC = 2
NS = 16
NW = NC * NS
EPW = E // NW
CHUNK = 125
NCH = EPW // CHUNK
NPAD = 10240
RPS = NPAD // NS
DW = 16
BN = 2000
NB = N // BN


def _sc_mesh():
    return plsc.VectorSubcoreMesh(
        core_axis_name="c", subcore_axis_name="s", num_cores=NC, num_subcores=NS)


def _agg_body(feat, src3, dst3, znd, out0, out1, srcv, dstv, buf, accsh, sem):
    cid = lax.axis_index("c")
    sid = lax.axis_index("s")
    wid = cid * NS + sid

    pltpu.sync_copy(src3.at[wid], srcv)
    pltpu.sync_copy(dst3.at[wid], dstv)

    r0 = sid * RPS
    pltpu.sync_copy(znd.at[pl.ds(r0, RPS)], accsh.at[pl.ds(r0, RPS)])
    plsc.subcore_barrier()

    def step(j, carry):
        pltpu.async_copy(feat.at[srcv.at[j]], buf, sem).wait()
        pltpu.sync_copy(buf, accsh.at[dstv.at[j]], add=True)
        return carry

    lax.fori_loop(0, NCH, step, 0)

    plsc.subcore_barrier()
    _writeback(cid, sid, accsh, out0, out1)


def _writeback(cid, sid, sh, out0, out1):
    r0 = sid * RPS
    nrows = N - 15 * RPS

    @pl.when(cid == 0)
    def _c0():
        @pl.when(sid < NS - 1)
        def _full():
            pltpu.sync_copy(sh.at[pl.ds(r0, RPS)], out0.at[pl.ds(r0, RPS)])

        @pl.when(sid == NS - 1)
        def _last():
            pltpu.sync_copy(sh.at[pl.ds(r0, nrows)], out0.at[pl.ds(r0, nrows)])

    @pl.when(cid == 1)
    def _c1():
        @pl.when(sid < NS - 1)
        def _full():
            pltpu.sync_copy(sh.at[pl.ds(r0, RPS)], out1.at[pl.ds(r0, RPS)])

        @pl.when(sid == NS - 1)
        def _last():
            pltpu.sync_copy(sh.at[pl.ds(r0, nrows)], out1.at[pl.ds(r0, nrows)])


def _deg_body(dst3, zdg, onesc, dg0, dg1, dstv, onev, degsh):
    cid = lax.axis_index("c")
    sid = lax.axis_index("s")
    wid = cid * NS + sid

    pltpu.sync_copy(dst3.at[wid], dstv)
    r0 = sid * RPS
    pltpu.sync_copy(zdg.at[pl.ds(r0, RPS)], degsh.at[pl.ds(r0, RPS)])
    pltpu.sync_copy(onesc, onev)
    plsc.subcore_barrier()

    def step(j, carry):
        pltpu.sync_copy(onev, degsh.at[dstv.at[j]], add=True)
        return carry

    lax.fori_loop(0, NCH, step, 0)

    plsc.subcore_barrier()
    _writeback(cid, sid, degsh, dg0, dg1)


def _build_agg():
    return pl.kernel(
        _agg_body,
        out_type=[jax.ShapeDtypeStruct((N, DF), jnp.float32),
                  jax.ShapeDtypeStruct((N, DF), jnp.float32)],
        mesh=_sc_mesh(),
        scratch_types=[
            pltpu.VMEM((NCH, CHUNK), jnp.int32),
            pltpu.VMEM((NCH, CHUNK), jnp.int32),
            pltpu.VMEM((CHUNK, DF), jnp.float32),
            pltpu.VMEM_SHARED((NPAD, DF), jnp.float32),
            pltpu.SemaphoreType.DMA,
        ],
    )


def _build_deg():
    return pl.kernel(
        _deg_body,
        out_type=[jax.ShapeDtypeStruct((N, DW), jnp.float32),
                  jax.ShapeDtypeStruct((N, DW), jnp.float32)],
        mesh=_sc_mesh(),
        scratch_types=[
            pltpu.VMEM((NCH, CHUNK), jnp.int32),
            pltpu.VMEM((CHUNK, DW), jnp.float32),
            pltpu.VMEM_SHARED((NPAD, DW), jnp.float32),
        ],
    )


_sc_cache = {}


def _get_sc(name):
    if name not in _sc_cache:
        _sc_cache[name] = _build_agg() if name == "agg" else _build_deg()
    return _sc_cache[name]


def _mm(a, b):
    return lax.dot_general(
        a, b, (((1,), (0,)), ((), ())),
        preferred_element_type=jnp.float32,
        precision=lax.Precision.HIGHEST,
    )


def _mmT(a, b):
    return lax.dot_general(
        a, b, (((0,), (0,)), ((), ())),
        preferred_element_type=jnp.float32,
        precision=lax.Precision.HIGHEST,
    )


def _mmt(a, b):
    return lax.dot_general(
        a, b, (((1,), (1,)), ((), ())),
        preferred_element_type=jnp.float32,
        precision=lax.Precision.HIGHEST,
    )


def _leaky(v):
    return jnp.where(v >= 0, v, 0.01 * v)


def _tc1_body(p0, p1, d0, d1, x, wl, bl, wr, out):
    deg = jnp.maximum(jnp.max(d0[...] + d1[...], axis=1, keepdims=True), 1.0)
    mean = (p0[...] + p1[...]) / deg
    v = _mmt(mean, wl[...]) + bl[...] + _mmt(x[...], wr[...])
    out[...] = _leaky(v)


def _tc2_body(q0, q1, d0, d1, h1, bt, wl, bl, wr, k1ft, cwv, gmat, hgrp,
              t10, rsum, wm1, bm1, wm2, bm2, out, acc):
    i = pl.program_id(0)

    @pl.when(i == 0)
    def _zero():
        acc[...] = jnp.zeros_like(acc)

    deg = jnp.maximum(jnp.max(d0[...] + d1[...], axis=1, keepdims=True), 1.0)
    mean = (q0[...] + q1[...]) / deg
    h = _leaky(_mmt(mean, wl[...]) + bl[...] + _mmt(h1[...], wr[...]))

    kp = k1ft[...]
    cross = _mmt(h, kp)
    x2 = jnp.sum(h * h, axis=1, keepdims=True)
    k2n = jnp.sum(kp * kp, axis=1)[None, :]
    dist = jnp.maximum(x2 + k2n - 2.0 * cross, 0.0)
    t = 1.0 / (1.0 + dist)
    den = _mm(t, gmat[...])
    spre = (t / den) * cwv[...]
    s = _mm(spre, hgrp[...])
    m = jnp.max(s, axis=1, keepdims=True)
    e = jnp.exp(s - m)
    p = e / jnp.sum(e, axis=1, keepdims=True)

    oh = (bt[...] == lax.broadcasted_iota(jnp.int32, (BN, NGR), 1))
    oh = oh.astype(jnp.float32)
    q = _mm(oh, rsum[...]) * _mm(p, t10[...])
    acc[...] += _mmT(q, h)

    @pl.when(i == NB - 1)
    def _final():
        x1 = _leaky(_mmt(acc[...], wm1[...]) + bm1[...])
        g = _mm(rsum[...], x1)
        out[...] = _mmt(g, wm2[...]) + bm2[...]


def _bspec(shape):
    return pl.BlockSpec(shape, lambda i: (i, 0))


def _wspec(shape):
    return pl.BlockSpec(shape, lambda i: (0, 0))


_tc1 = pl.pallas_call(
    _tc1_body,
    grid=(NB,),
    in_specs=[
        _bspec((BN, DF)), _bspec((BN, DF)),
        _bspec((BN, DW)), _bspec((BN, DW)),
        _bspec((BN, DF)),
        _wspec((DF, DF)), _wspec((1, DF)), _wspec((DF, DF)),
    ],
    out_specs=_bspec((BN, DF)),
    out_shape=jax.ShapeDtypeStruct((N, DF), jnp.float32),
)

_tc2 = pl.pallas_call(
    _tc2_body,
    grid=(NB,),
    in_specs=[
        _bspec((BN, DF)), _bspec((BN, DF)),
        _bspec((BN, DW)), _bspec((BN, DW)),
        _bspec((BN, DF)), _bspec((BN, 1)),
        _wspec((DF, DF)), _wspec((1, DF)), _wspec((DF, DF)),
        _wspec((64, DF)), _wspec((1, 64)), _wspec((64, 64)), _wspec((64, 10)),
        _wspec((10, 160)), _wspec((16, 160)),
        _wspec((DF, DF)), _wspec((1, DF)), _wspec((10, DF)), _wspec((1, 10)),
    ],
    out_specs=pl.BlockSpec((NGR, 10), lambda i: (0, 0)),
    out_shape=jax.ShapeDtypeStruct((NGR, 10), jnp.float32),
    scratch_shapes=[pltpu.VMEM((NGR * 10, DF), jnp.float32)],
)

_EYE10 = np.eye(10, dtype=np.float32)
_G64 = np.zeros((64, 64), np.float32)
_G64[:50, :50] = np.kron(np.eye(5, dtype=np.float32), np.ones((10, 10), np.float32))
_G64[50:, 50:] = np.eye(14, dtype=np.float32)
_HGRP64 = np.zeros((64, 10), np.float32)
_HGRP64[:50] = np.tile(_EYE10, (5, 1))
_T10 = np.tile(_EYE10, (1, 16))
_RSUM = np.kron(np.eye(16, dtype=np.float32), np.ones((1, 10), np.float32))


def kernel(x, edge_index, batch, Wl1, bl1, Wr1, Wl2, bl2, Wr2,
           k1, cw1, Wm1, bm1, k2, cw2, Wm2, bm2):
    src3 = edge_index[0].reshape(NW, NCH, CHUNK)
    dst3 = edge_index[1].reshape(NW, NCH, CHUNK)
    znd = jnp.zeros((NPAD, DF), jnp.float32)
    zdg = jnp.zeros((NPAD, DW), jnp.float32)
    onesc = jnp.concatenate(
        [jnp.ones((CHUNK, 1), jnp.float32), jnp.zeros((CHUNK, DW - 1), jnp.float32)],
        axis=1)

    d0, d1 = _get_sc("deg")(dst3, zdg, onesc)
    p0, p1 = _get_sc("agg")(x, src3, dst3, znd)

    h1 = _tc1(p0, p1, d0, d1, x, Wl1, bl1[None, :], Wr1)

    q0, q1 = _get_sc("agg")(h1, src3, dst3, znd)

    k1f = k1.reshape(50, DF)
    k1p = jnp.concatenate([k1f, jnp.zeros((14, DF), jnp.float32)], axis=0)
    cwv = jnp.concatenate([jnp.repeat(cw1, 10), jnp.zeros((14,), jnp.float32)])[None, :]
    bt = batch.reshape(N, 1)

    out = _tc2(
        q0, q1, d0, d1, h1, bt,
        Wl2, bl2[None, :], Wr2,
        k1p, cwv, jnp.asarray(_G64), jnp.asarray(_HGRP64),
        jnp.asarray(_T10), jnp.asarray(_RSUM),
        Wm1, bm1[None, :], Wm2, bm2[None, :],
    )
    return out

# --- scband reference (transcript-rebuilt; emitter-appended) ---
"""Pipeline reference for scband-sagenetwork-49950469652898 (READ-ONLY COPY).

The authoritative reference and input builder live on the scoring server;
editing this copy changes nothing except your own understanding.
"""

import jax, jax.numpy as jnp
import numpy as np

NUM_GRAPHS = 16
NEG_SLOPE = 0.01
TAU = 1.0


def leaky_relu(x):
    return jnp.where(x >= 0, x, NEG_SLOPE * x)


def sage_conv(x, edge_index, Wl, bl, Wr):
    # PyG SAGEConv: out = lin_l(mean_aggr(x_src -> dst)) + lin_r(x)
    src = edge_index[0]
    dst = edge_index[1]
    msg = x[src]
    agg = jax.ops.segment_sum(msg, dst, num_segments=x.shape[0])
    deg = jax.ops.segment_sum(jnp.ones((src.shape[0],), x.dtype), dst, num_segments=x.shape[0])
    agg = agg / jnp.clip(deg, 1.0)[:, None]
    return agg @ Wl.T + bl + x @ Wr.T


def to_dense_batch(h, batch):
    N = h.shape[0]
    counts = jax.ops.segment_sum(jnp.ones((N,), jnp.int32), batch, num_segments=NUM_GRAPHS)
    starts = jnp.concatenate([jnp.zeros((1,), counts.dtype), jnp.cumsum(counts)[:-1]])
    pos = jnp.arange(N) - starts[batch]
    Nmax = N
    dense = jnp.zeros((NUM_GRAPHS, Nmax, h.shape[1]), h.dtype).at[batch, pos].set(h)
    mask = jnp.zeros((NUM_GRAPHS, Nmax), dtype=bool).at[batch, pos].set(True)
    return dense, mask


def mem_pool(xd, mask, k, conv_w, W, b):
    # PyG MemPooling: student-t kernel (tau=1) to memory keys, Conv2d(heads->1,1x1) head mix, softmax over clusters
    x2 = jnp.sum(xd * xd, axis=-1)  # [B, N]
    k2 = jnp.sum(k * k, axis=-1)    # [H, K]
    cross = jnp.einsum('bnd,hkd->bhnk', xd, k)
    dist = x2[:, None, :, None] + k2[None, :, None, :] - 2.0 * cross
    dist = jnp.maximum(dist, 0.0)
    dist = (1.0 + dist / TAU) ** (-(TAU + 1.0) / 2.0)
    S = dist / jnp.sum(dist, axis=-1, keepdims=True)
    S = jnp.einsum('h,bhnk->bnk', conv_w, S)
    S = jax.nn.softmax(S, axis=-1)
    if mask is not None:
        S = S * mask.astype(S.dtype)[:, :, None]
    pooled = jnp.einsum('bnk,bnd->bkd', S, xd)
    out = pooled @ W.T + b
    return out, S


def setup_inputs(seed: int = 0):
    key = jax.random.key(seed)
    ks = jax.random.split(key, 16)
    N, E, D, H, A = 10000, 320000, 128, 128, 10
    s = 0.05
    x = jax.random.normal(ks[0], (N, D), dtype=jnp.float32)
    edge_index = jax.random.randint(ks[1], (2, E), 0, N, dtype=jnp.int32)
    batch = jnp.sort(jax.random.randint(ks[2], (N,), 0, NUM_GRAPHS, dtype=jnp.int32))
    Wl1 = jax.random.normal(ks[3], (H, D), dtype=jnp.float32) * s
    bl1 = jnp.zeros((H,), jnp.float32)
    Wr1 = jax.random.normal(ks[4], (H, D), dtype=jnp.float32) * s
    Wl2 = jax.random.normal(ks[5], (H, H), dtype=jnp.float32) * s
    bl2 = jnp.zeros((H,), jnp.float32)
    Wr2 = jax.random.normal(ks[6], (H, H), dtype=jnp.float32) * s
    k1 = jax.random.normal(ks[7], (5, 10, H), dtype=jnp.float32) * s
    cw1 = jax.random.normal(ks[8], (5,), dtype=jnp.float32) * s
    Wm1 = jax.random.normal(ks[9], (H, H), dtype=jnp.float32) * s
    bm1 = jnp.zeros((H,), jnp.float32)
    k2 = jax.random.normal(ks[10], (5, 1, H), dtype=jnp.float32) * s
    cw2 = jax.random.normal(ks[11], (5,), dtype=jnp.float32) * s
    Wm2 = jax.random.normal(ks[12], (A, H), dtype=jnp.float32) * s
    bm2 = jnp.zeros((A,), jnp.float32)
    return {'x': x, 'edge_index': edge_index, 'batch': batch,
            'Wl1': Wl1, 'bl1': bl1, 'Wr1': Wr1, 'Wl2': Wl2, 'bl2': bl2, 'Wr2': Wr2,
            'k1': k1, 'cw1': cw1, 'Wm1': Wm1, 'bm1': bm1,
            'k2': k2, 'cw2': cw2, 'Wm2': Wm2, 'bm2': bm2}


def reference(x, edge_index, batch, Wl1, bl1, Wr1, Wl2, bl2, Wr2, k1, cw1, Wm1, bm1, k2, cw2, Wm2, bm2):
    # GraphSAGE num_layers=2, act='leaky_relu' (applied between layers)
    h = sage_conv(x, edge_index, Wl1, bl1, Wr1)
    h = leaky_relu(h)
    h = sage_conv(h, edge_index, Wl2, bl2, Wr2)
    # F.leaky_relu after gnn
    h = leaky_relu(h)
    xd, mask = to_dense_batch(h, batch)
    x1, S1 = mem_pool(xd, mask, k1, cw1, Wm1, bm1)
    x1 = leaky_relu(x1)
    x2, S2 = mem_pool(x1, None, k2, cw2, Wm2, bm2)
    return x2[:, 0, :]

if __name__ == "__main__":
    import jax
    _d = setup_inputs()
    print(jax.jit(kernel)(*tuple(_d.values())))

</pallas_src>

<mosaic_0001>
#map = affine_map<(d0, d1) -> (0, 0, 0)>
#map1 = affine_map<(d0, d1) -> (0, 0)>
module attributes {stable_mosaic.version = 14 : i64} {
  func.func @_deg_body(%arg0: i32, %arg1: i32, %arg2: memref<32x80x125xi32, #tpu.memory_space<hbm>>, %arg3: memref<10240x16xf32, #tpu.memory_space<hbm>>, %arg4: memref<125x16xf32, #tpu.memory_space<hbm>>, %arg5: memref<10000x16xf32, #tpu.memory_space<hbm>>, %arg6: memref<10000x16xf32, #tpu.memory_space<hbm>>, %arg7: memref<80x125xi32, #tpu.memory_space<vmem>>, %arg8: memref<125x16xf32, #tpu.memory_space<vmem>>, %arg9: memref<10240x16xf32, #tpu.memory_space<vmem_shared>>) attributes {dimension_semantics = [#tpu.dimension_semantics<core_parallel>, #tpu.dimension_semantics<subcore_parallel>], iteration_bounds = array<i64: 2, 16>, scalar_prefetch = 0 : i64, scratch_operands = 3 : i64, tpu.core_type = #tpu.core_type<sc_vector_subcore>, window_params = [{transform_indices = #map}, {transform_indices = #map1}, {transform_indices = #map1}, {transform_indices = #map1}, {transform_indices = #map1}]} {
    %mul3A = arith.constant 16 : i32
    %mul3A_0 = arith.muli %arg0, %mul3A : i32
    %add3A = arith.addi %mul3A_0, %arg1 : i32
    "tpu.region"() ({
      %run_scoped3A = tpu.sem_alloc : memref<!tpu.dma_semaphore, #tpu.memory_space<semaphore_mem>>
      %dma_start3A = arith.constant 0 : i32
      %dma_start3A_18 = arith.constant 0 : i32
      %dma_start3A_19 = tpu.memref_slice %arg2[%add3A, %dma_start3A, %dma_start3A_18] : memref<32x80x125xi32, #tpu.memory_space<hbm>> -> memref<1x80x125xi32, #tpu.memory_space<hbm>>
      %dma_start3A_20 = tpu.memref_squeeze %dma_start3A_19 : memref<1x80x125xi32, #tpu.memory_space<hbm>> -> memref<80x125xi32, #tpu.memory_space<hbm>>
      %dma_start3A_21 = arith.constant 0 : i32
      %dma_start3A_22 = arith.constant 0 : i32
      %dma_start3A_23 = tpu.memref_slice %arg2[%add3A, %dma_start3A_21, %dma_start3A_22] : memref<32x80x125xi32, #tpu.memory_space<hbm>> -> memref<1x80x125xi32, #tpu.memory_space<hbm>>
      %dma_start3A_24 = tpu.memref_squeeze %dma_start3A_23 : memref<1x80x125xi32, #tpu.memory_space<hbm>> -> memref<80x125xi32, #tpu.memory_space<hbm>>
      tpu.enqueue_dma source(%dma_start3A_24 : memref<80x125xi32, #tpu.memory_space<hbm>>) target(%arg7 : memref<80x125xi32, #tpu.memory_space<vmem>>) target_semaphore(%run_scoped3A : memref<!tpu.dma_semaphore, #tpu.memory_space<semaphore_mem>>)
      %dma_wait3A = arith.constant 0 : i32
      %dma_wait3A_25 = arith.constant 0 : i32
      %dma_wait3A_26 = tpu.memref_slice %arg2[%add3A, %dma_wait3A, %dma_wait3A_25] : memref<32x80x125xi32, #tpu.memory_space<hbm>> -> memref<1x80x125xi32, #tpu.memory_space<hbm>>
      %dma_wait3A_27 = tpu.memref_squeeze %dma_wait3A_26 : memref<1x80x125xi32, #tpu.memory_space<hbm>> -> memref<80x125xi32, #tpu.memory_space<hbm>>
      %dma_wait3A_28 = arith.constant 0 : i32
      %dma_wait3A_29 = arith.constant 0 : i32
      %dma_wait3A_30 = tpu.memref_slice %arg2[%add3A, %dma_wait3A_28, %dma_wait3A_29] : memref<32x80x125xi32, #tpu.memory_space<hbm>> -> memref<1x80x125xi32, #tpu.memory_space<hbm>>
      %dma_wait3A_31 = tpu.memref_squeeze %dma_wait3A_30 : memref<1x80x125xi32, #tpu.memory_space<hbm>> -> memref<80x125xi32, #tpu.memory_space<hbm>>
      tpu.wait_dma2 semaphore(%run_scoped3A : memref<!tpu.dma_semaphore, #tpu.memory_space<semaphore_mem>>) src(%dma_wait3A_31 : memref<80x125xi32, #tpu.memory_space<hbm>>) dst(%arg7 : memref<80x125xi32, #tpu.memory_space<vmem>>)
      tpu.yield
    }) : () -> ()
    %mul3A_1 = arith.constant 640 : i32
    %mul3A_2 = arith.muli %arg1, %mul3A_1 : i32
    "tpu.region"() ({
      %run_scoped3A = tpu.sem_alloc : memref<!tpu.dma_semaphore, #tpu.memory_space<semaphore_mem>>
      %dma_start3A = arith.constant 0 : i32
      %dma_start3A_18 = tpu.memref_slice %arg9[%mul3A_2, %dma_start3A] : memref<10240x16xf32, #tpu.memory_space<vmem_shared>> -> memref<640x16xf32, #tpu.memory_space<vmem_shared>>
      %dma_start3A_19 = arith.constant 0 : i32
      %dma_start3A_20 = tpu.memref_slice %arg3[%mul3A_2, %dma_start3A_19] : memref<10240x16xf32, #tpu.memory_space<hbm>> -> memref<640x16xf32, #tpu.memory_space<hbm>>
      tpu.enqueue_dma source(%dma_start3A_20 : memref<640x16xf32, #tpu.memory_space<hbm>>) target(%dma_start3A_18 : memref<640x16xf32, #tpu.memory_space<vmem_shared>>) target_semaphore(%run_scoped3A : memref<!tpu.dma_semaphore, #tpu.memory_space<semaphore_mem>>)
      %dma_wait3A = arith.constant 0 : i32
      %dma_wait3A_21 = tpu.memref_slice %arg9[%mul3A_2, %dma_wait3A] : memref<10240x16xf32, #tpu.memory_space<vmem_shared>> -> memref<640x16xf32, #tpu.memory_space<vmem_shared>>
      %dma_wait3A_22 = arith.constant 0 : i32
      %dma_wait3A_23 = tpu.memref_slice %arg3[%mul3A_2, %dma_wait3A_22] : memref<10240x16xf32, #tpu.memory_space<hbm>> -> memref<640x16xf32, #tpu.memory_space<hbm>>
      tpu.wait_dma2 semaphore(%run_scoped3A : memref<!tpu.dma_semaphore, #tpu.memory_space<semaphore_mem>>) src(%dma_wait3A_23 : memref<640x16xf32, #tpu.memory_space<hbm>>) dst(%dma_wait3A_21 : memref<640x16xf32, #tpu.memory_space<vmem_shared>>)
      tpu.yield
    }) : () -> ()
    "tpu.region"() ({
      %run_scoped3A = tpu.sem_alloc : memref<!tpu.dma_semaphore, #tpu.memory_space<semaphore_mem>>
      tpu.enqueue_dma source(%arg4 : memref<125x16xf32, #tpu.memory_space<hbm>>) target(%arg8 : memref<125x16xf32, #tpu.memory_space<vmem>>) target_semaphore(%run_scoped3A : memref<!tpu.dma_semaphore, #tpu.memory_space<semaphore_mem>>)
      tpu.wait_dma2 semaphore(%run_scoped3A : memref<!tpu.dma_semaphore, #tpu.memory_space<semaphore_mem>>) src(%arg4 : memref<125x16xf32, #tpu.memory_space<hbm>>) dst(%arg8 : memref<125x16xf32, #tpu.memory_space<vmem>>)
      tpu.yield
    }) : () -> ()
    %barrier3A = arith.constant 0 : index
    tpu.barrier barrier_id(%barrier3A)
    %scan3A = arith.constant 0 : i32
    %scan3A_3 = arith.constant 0 : i32
    %scan3A_4 = arith.constant 80 : i32
    %scan3A_5 = arith.addi %scan3A_3, %scan3A_4 : i32
    %scan3A_6 = arith.constant 1 : i32
    scf.for %scan3A_18 = %scan3A_3 to %scan3A_5 step %scan3A_6  : i32 {
      "tpu.region"() ({
        %run_scoped3A = tpu.sem_alloc : memref<!tpu.dma_semaphore, #tpu.memory_space<semaphore_mem>>
        %dma_start3A = arith.constant 0 : i32
        %dma_start3A_19 = tpu.memref_slice %arg7[%scan3A_18, %dma_start3A] : memref<80x125xi32, #tpu.memory_space<vmem>> -> memref<1x125xi32, #tpu.memory_space<vmem>>
        %dma_start3A_20 = tpu.memref_squeeze %dma_start3A_19 : memref<1x125xi32, #tpu.memory_space<vmem>> -> memref<125xi32, #tpu.memory_space<vmem>>
        %dma_start3A_21 = arith.constant 0 : i32
        %dma_start3A_22 = arith.constant 0 : i32
        %dma_start3A_23 = tpu.memref_slice %arg9[%dma_start3A_21, %dma_start3A_22] : memref<10240x16xf32, #tpu.memory_space<vmem_shared>> -> memref<10240x16xf32, #tpu.memory_space<vmem_shared>>
        tpu.enqueue_indirect_dma source(%arg8 : memref<125x16xf32, #tpu.memory_space<vmem>>) target(%dma_start3A_23 : memref<10240x16xf32, #tpu.memory_space<vmem_shared>>) offsets(%dma_start3A_20 : memref<125xi32, #tpu.memory_space<vmem>>) semaphore(%run_scoped3A : memref<!tpu.dma_semaphore, #tpu.memory_space<semaphore_mem>>) {add = true}
        %dma_wait3A = arith.constant 0 : i32
        %dma_wait3A_24 = tpu.memref_slice %arg7[%scan3A_18, %dma_wait3A] : memref<80x125xi32, #tpu.memory_space<vmem>> -> memref<1x125xi32, #tpu.memory_space<vmem>>
        %dma_wait3A_25 = tpu.memref_squeeze %dma_wait3A_24 : memref<1x125xi32, #tpu.memory_space<vmem>> -> memref<125xi32, #tpu.memory_space<vmem>>
        %dma_wait3A_26 = arith.constant 0 : i32
        %dma_wait3A_27 = arith.constant 0 : i32
        %dma_wait3A_28 = tpu.memref_slice %arg9[%dma_wait3A_26, %dma_wait3A_27] : memref<10240x16xf32, #tpu.memory_space<vmem_shared>> -> memref<10240x16xf32, #tpu.memory_space<vmem_shared>>
        tpu.wait_indirect_dma semaphore(%run_scoped3A : memref<!tpu.dma_semaphore, #tpu.memory_space<semaphore_mem>>) src(%arg8 : memref<125x16xf32, #tpu.memory_space<vmem>>) dst(%dma_wait3A_28 : memref<10240x16xf32, #tpu.memory_space<vmem_shared>>)
        tpu.yield
      }) : () -> ()
    }
    %scan3A_7 = arith.constant 80 : i32
    %barrier3A_8 = arith.constant 0 : index
    tpu.barrier barrier_id(%barrier3A_8)
    %mul3A_9 = arith.constant 640 : i32
    %mul3A_10 = arith.muli %arg1, %mul3A_9 : i32
    %eq3A = arith.constant 0 : i32
    %eq3A_11 = arith.cmpi eq, %arg0, %eq3A : i32
    %convert_element_type3A = arith.extui %eq3A_11 : i1 to i32
    %cond3A = arith.constant 0 : i32
    %cond3A_12 = arith.cmpi ne, %convert_element_type3A, %cond3A : i32
    scf.if %cond3A_12 {
      %lt3A = arith.constant 15 : i32
      %lt3A_18 = arith.cmpi slt, %arg1, %lt3A : i32
      %convert_element_type3A_19 = arith.extui %lt3A_18 : i1 to i32
      %cond3A_20 = arith.constant 0 : i32
      %cond3A_21 = arith.cmpi ne, %convert_element_type3A_19, %cond3A_20 : i32
      scf.if %cond3A_21 {
        "tpu.region"() ({
          %run_scoped3A = tpu.sem_alloc : memref<!tpu.dma_semaphore, #tpu.memory_space<semaphore_mem>>
          %dma_start3A = arith.constant 0 : i32
          %dma_start3A_27 = tpu.memref_slice %arg5[%mul3A_10, %dma_start3A] : memref<10000x16xf32, #tpu.memory_space<hbm>> -> memref<640x16xf32, #tpu.memory_space<hbm>>
          %dma_start3A_28 = arith.constant 0 : i32
          %dma_start3A_29 = tpu.memref_slice %arg9[%mul3A_10, %dma_start3A_28] : memref<10240x16xf32, #tpu.memory_space<vmem_shared>> -> memref<640x16xf32, #tpu.memory_space<vmem_shared>>
          tpu.enqueue_dma source(%dma_start3A_29 : memref<640x16xf32, #tpu.memory_space<vmem_shared>>) target(%dma_start3A_27 : memref<640x16xf32, #tpu.memory_space<hbm>>) target_semaphore(%run_scoped3A : memref<!tpu.dma_semaphore, #tpu.memory_space<semaphore_mem>>)
          %dma_wait3A = arith.constant 0 : i32
          %dma_wait3A_30 = tpu.memref_slice %arg5[%mul3A_10, %dma_wait3A] : memref<10000x16xf32, #tpu.memory_space<hbm>> -> memref<640x16xf32, #tpu.memory_space<hbm>>
          %dma_wait3A_31 = arith.constant 0 : i32
          %dma_wait3A_32 = tpu.memref_slice %arg9[%mul3A_10, %dma_wait3A_31] : memref<10240x16xf32, #tpu.memory_space<vmem_shared>> -> memref<640x16xf32, #tpu.memory_space<vmem_shared>>
          tpu.wait_dma2 semaphore(%run_scoped3A : memref<!tpu.dma_semaphore, #tpu.memory_space<semaphore_mem>>) src(%dma_wait3A_32 : memref<640x16xf32, #tpu.memory_space<vmem_shared>>) dst(%dma_wait3A_30 : memref<640x16xf32, #tpu.memory_space<hbm>>)
          tpu.yield
        }) : () -> ()
      } else {
      }
      %eq3A_22 = arith.constant 15 : i32
      %eq3A_23 = arith.cmpi eq, %arg1, %eq3A_22 : i32
      %convert_element_type3A_24 = arith.extui %eq3A_23 : i1 to i32
      %cond3A_25 = arith.constant 0 : i32
      %cond3A_26 = arith.cmpi ne, %convert_element_type3A_24, %cond3A_25 : i32
      scf.if %cond3A_26 {
        "tpu.region"() ({
          %run_scoped3A = tpu.sem_alloc : memref<!tpu.dma_semaphore, #tpu.memory_space<semaphore_mem>>
          %dma_start3A = arith.constant 0 : i32
          %dma_start3A_27 = tpu.memref_slice %arg5[%mul3A_10, %dma_start3A] : memref<10000x16xf32, #tpu.memory_space<hbm>> -> memref<400x16xf32, #tpu.memory_space<hbm>>
          %dma_start3A_28 = arith.constant 0 : i32
          %dma_start3A_29 = tpu.memref_slice %arg9[%mul3A_10, %dma_start3A_28] : memref<10240x16xf32, #tpu.memory_space<vmem_shared>> -> memref<400x16xf32, #tpu.memory_space<vmem_shared>>
          tpu.enqueue_dma source(%dma_start3A_29 : memref<400x16xf32, #tpu.memory_space<vmem_shared>>) target(%dma_start3A_27 : memref<400x16xf32, #tpu.memory_space<hbm>>) target_semaphore(%run_scoped3A : memref<!tpu.dma_semaphore, #tpu.memory_space<semaphore_mem>>)
          %dma_wait3A = arith.constant 0 : i32
          %dma_wait3A_30 = tpu.memref_slice %arg5[%mul3A_10, %dma_wait3A] : memref<10000x16xf32, #tpu.memory_space<hbm>> -> memref<400x16xf32, #tpu.memory_space<hbm>>
          %dma_wait3A_31 = arith.constant 0 : i32
          %dma_wait3A_32 = tpu.memref_slice %arg9[%mul3A_10, %dma_wait3A_31] : memref<10240x16xf32, #tpu.memory_space<vmem_shared>> -> memref<400x16xf32, #tpu.memory_space<vmem_shared>>
          tpu.wait_dma2 semaphore(%run_scoped3A : memref<!tpu.dma_semaphore, #tpu.memory_space<semaphore_mem>>) src(%dma_wait3A_32 : memref<400x16xf32, #tpu.memory_space<vmem_shared>>) dst(%dma_wait3A_30 : memref<400x16xf32, #tpu.memory_space<hbm>>)
          tpu.yield
        }) : () -> ()
      } else {
      }
    } else {
    }
    %eq3A_13 = arith.constant 1 : i32
    %eq3A_14 = arith.cmpi eq, %arg0, %eq3A_13 : i32
    %convert_element_type3A_15 = arith.extui %eq3A_14 : i1 to i32
    %cond3A_16 = arith.constant 0 : i32
    %cond3A_17 = arith.cmpi ne, %convert_element_type3A_15, %cond3A_16 : i32
    scf.if %cond3A_17 {
      %lt3A = arith.constant 15 : i32
      %lt3A_18 = arith.cmpi slt, %arg1, %lt3A : i32
      %convert_element_type3A_19 = arith.extui %lt3A_18 : i1 to i32
      %cond3A_20 = arith.constant 0 : i32
      %cond3A_21 = arith.cmpi ne, %convert_element_type3A_19, %cond3A_20 : i32
      scf.if %cond3A_21 {
        "tpu.region"() ({
          %run_scoped3A = tpu.sem_alloc : memref<!tpu.dma_semaphore, #tpu.memory_space<semaphore_mem>>
          %dma_start3A = arith.constant 0 : i32
          %dma_start3A_27 = tpu.memref_slice %arg6[%mul3A_10, %dma_start3A] : memref<10000x16xf32, #tpu.memory_space<hbm>> -> memref<640x16xf32, #tpu.memory_space<hbm>>
          %dma_start3A_28 = arith.constant 0 : i32
          %dma_start3A_29 = tpu.memref_slice %arg9[%mul3A_10, %dma_start3A_28] : memref<10240x16xf32, #tpu.memory_space<vmem_shared>> -> memref<640x16xf32, #tpu.memory_space<vmem_shared>>
          tpu.enqueue_dma source(%dma_start3A_29 : memref<640x16xf32, #tpu.memory_space<vmem_shared>>) target(%dma_start3A_27 : memref<640x16xf32, #tpu.memory_space<hbm>>) target_semaphore(%run_scoped3A : memref<!tpu.dma_semaphore, #tpu.memory_space<semaphore_mem>>)
          %dma_wait3A = arith.constant 0 : i32
          %dma_wait3A_30 = tpu.memref_slice %arg6[%mul3A_10, %dma_wait3A] : memref<10000x16xf32, #tpu.memory_space<hbm>> -> memref<640x16xf32, #tpu.memory_space<hbm>>
          %dma_wait3A_31 = arith.constant 0 : i32
          %dma_wait3A_32 = tpu.memref_slice %arg9[%mul3A_10, %dma_wait3A_31] : memref<10240x16xf32, #tpu.memory_space<vmem_shared>> -> memref<640x16xf32, #tpu.memory_space<vmem_shared>>
          tpu.wait_dma2 semaphore(%run_scoped3A : memref<!tpu.dma_semaphore, #tpu.memory_space<semaphore_mem>>) src(%dma_wait3A_32 : memref<640x16xf32, #tpu.memory_space<vmem_shared>>) dst(%dma_wait3A_30 : memref<640x16xf32, #tpu.memory_space<hbm>>)
          tpu.yield
        }) : () -> ()
      } else {
      }
      %eq3A_22 = arith.constant 15 : i32
      %eq3A_23 = arith.cmpi eq, %arg1, %eq3A_22 : i32
      %convert_element_type3A_24 = arith.extui %eq3A_23 : i1 to i32
      %cond3A_25 = arith.constant 0 : i32
      %cond3A_26 = arith.cmpi ne, %convert_element_type3A_24, %cond3A_25 : i32
      scf.if %cond3A_26 {
        "tpu.region"() ({
          %run_scoped3A = tpu.sem_alloc : memref<!tpu.dma_semaphore, #tpu.memory_space<semaphore_mem>>
          %dma_start3A = arith.constant 0 : i32
          %dma_start3A_27 = tpu.memref_slice %arg6[%mul3A_10, %dma_start3A] : memref<10000x16xf32, #tpu.memory_space<hbm>> -> memref<400x16xf32, #tpu.memory_space<hbm>>
          %dma_start3A_28 = arith.constant 0 : i32
          %dma_start3A_29 = tpu.memref_slice %arg9[%mul3A_10, %dma_start3A_28] : memref<10240x16xf32, #tpu.memory_space<vmem_shared>> -> memref<400x16xf32, #tpu.memory_space<vmem_shared>>
          tpu.enqueue_dma source(%dma_start3A_29 : memref<400x16xf32, #tpu.memory_space<vmem_shared>>) target(%dma_start3A_27 : memref<400x16xf32, #tpu.memory_space<hbm>>) target_semaphore(%run_scoped3A : memref<!tpu.dma_semaphore, #tpu.memory_space<semaphore_mem>>)
          %dma_wait3A = arith.constant 0 : i32
          %dma_wait3A_30 = tpu.memref_slice %arg6[%mul3A_10, %dma_wait3A] : memref<10000x16xf32, #tpu.memory_space<hbm>> -> memref<400x16xf32, #tpu.memory_space<hbm>>
          %dma_wait3A_31 = arith.constant 0 : i32
          %dma_wait3A_32 = tpu.memref_slice %arg9[%mul3A_10, %dma_wait3A_31] : memref<10240x16xf32, #tpu.memory_space<vmem_shared>> -> memref<400x16xf32, #tpu.memory_space<vmem_shared>>
          tpu.wait_dma2 semaphore(%run_scoped3A : memref<!tpu.dma_semaphore, #tpu.memory_space<semaphore_mem>>) src(%dma_wait3A_32 : memref<400x16xf32, #tpu.memory_space<vmem_shared>>) dst(%dma_wait3A_30 : memref<400x16xf32, #tpu.memory_space<hbm>>)
          tpu.yield
        }) : () -> ()
      } else {
      }
    } else {
    }
    return
  }
}

#map = affine_map<(d0, d1) -> (0, 0)>
#map1 = affine_map<(d0, d1) -> (0, 0, 0)>
module attributes {stable_mosaic.version = 14 : i64} {
  func.func @_agg_body(%arg0: i32, %arg1: i32, %arg2: memref<10000x128xf32, #tpu.memory_space<hbm>>, %arg3: memref<32x80x125xi32, #tpu.memory_space<hbm>>, %arg4: memref<32x80x125xi32, #tpu.memory_space<hbm>>, %arg5: memref<10240x128xf32, #tpu.memory_space<hbm>>, %arg6: memref<10000x128xf32, #tpu.memory_space<hbm>>, %arg7: memref<10000x128xf32, #tpu.memory_space<hbm>>, %arg8: memref<80x125xi32, #tpu.memory_space<vmem>>, %arg9: memref<80x125xi32, #tpu.memory_space<vmem>>, %arg10: memref<125x128xf32, #tpu.memory_space<vmem>>, %arg11: memref<10240x128xf32, #tpu.memory_space<vmem_shared>>, %arg12: memref<!tpu.dma_semaphore, #tpu.memory_space<semaphore_mem>>) attributes {dimension_semantics = [#tpu.dimension_semantics<core_parallel>, #tpu.dimension_semantics<subcore_parallel>], iteration_bounds = array<i64: 2, 16>, scalar_prefetch = 0 : i64, scratch_operands = 5 : i64, tpu.core_type = #tpu.core_type<sc_vector_subcore>, window_params = [{transform_indices = #map}, {transform_indices = #map1}, {transform_indices = #map1}, {transform_indices = #map}, {transform_indices = #map}, {transform_indices = #map}]} {
    %mul3A = arith.constant 16 : i32
    %mul3A_0 = arith.muli %arg0, %mul3A : i32
    %add3A = arith.addi %mul3A_0, %arg1 : i32
    "tpu.region"() ({
      %run_scoped3A = tpu.sem_alloc : memref<!tpu.dma_semaphore, #tpu.memory_space<semaphore_mem>>
      %dma_start3A = arith.constant 0 : i32
      %dma_start3A_18 = arith.constant 0 : i32
      %dma_start3A_19 = tpu.memref_slice %arg3[%add3A, %dma_start3A, %dma_start3A_18] : memref<32x80x125xi32, #tpu.memory_space<hbm>> -> memref<1x80x125xi32, #tpu.memory_space<hbm>>
      %dma_start3A_20 = tpu.memref_squeeze %dma_start3A_19 : memref<1x80x125xi32, #tpu.memory_space<hbm>> -> memref<80x125xi32, #tpu.memory_space<hbm>>
      %dma_start3A_21 = arith.constant 0 : i32
      %dma_start3A_22 = arith.constant 0 : i32
      %dma_start3A_23 = tpu.memref_slice %arg3[%add3A, %dma_start3A_21, %dma_start3A_22] : memref<32x80x125xi32, #tpu.memory_space<hbm>> -> memref<1x80x125xi32, #tpu.memory_space<hbm>>
      %dma_start3A_24 = tpu.memref_squeeze %dma_start3A_23 : memref<1x80x125xi32, #tpu.memory_space<hbm>> -> memref<80x125xi32, #tpu.memory_space<hbm>>
      tpu.enqueue_dma source(%dma_start3A_24 : memref<80x125xi32, #tpu.memory_space<hbm>>) target(%arg8 : memref<80x125xi32, #tpu.memory_space<vmem>>) target_semaphore(%run_scoped3A : memref<!tpu.dma_semaphore, #tpu.memory_space<semaphore_mem>>)
      %dma_wait3A = arith.constant 0 : i32
      %dma_wait3A_25 = arith.constant 0 : i32
      %dma_wait3A_26 = tpu.memref_slice %arg3[%add3A, %dma_wait3A, %dma_wait3A_25] : memref<32x80x125xi32, #tpu.memory_space<hbm>> -> memref<1x80x125xi32, #tpu.memory_space<hbm>>
      %dma_wait3A_27 = tpu.memref_squeeze %dma_wait3A_26 : memref<1x80x125xi32, #tpu.memory_space<hbm>> -> memref<80x125xi32, #tpu.memory_space<hbm>>
      %dma_wait3A_28 = arith.constant 0 : i32
      %dma_wait3A_29 = arith.constant 0 : i32
      %dma_wait3A_30 = tpu.memref_slice %arg3[%add3A, %dma_wait3A_28, %dma_wait3A_29] : memref<32x80x125xi32, #tpu.memory_space<hbm>> -> memref<1x80x125xi32, #tpu.memory_space<hbm>>
      %dma_wait3A_31 = tpu.memref_squeeze %dma_wait3A_30 : memref<1x80x125xi32, #tpu.memory_space<hbm>> -> memref<80x125xi32, #tpu.memory_space<hbm>>
      tpu.wait_dma2 semaphore(%run_scoped3A : memref<!tpu.dma_semaphore, #tpu.memory_space<semaphore_mem>>) src(%dma_wait3A_31 : memref<80x125xi32, #tpu.memory_space<hbm>>) dst(%arg8 : memref<80x125xi32, #tpu.memory_space<vmem>>)
      tpu.yield
    }) : () -> ()
    "tpu.region"() ({
      %run_scoped3A = tpu.sem_alloc : memref<!tpu.dma_semaphore, #tpu.memory_space<semaphore_mem>>
      %dma_start3A = arith.constant 0 : i32
      %dma_start3A_18 = arith.constant 0 : i32
      %dma_start3A_19 = tpu.memref_slice %arg4[%add3A, %dma_start3A, %dma_start3A_18] : memref<32x80x125xi32, #tpu.memory_space<hbm>> -> memref<1x80x125xi32, #tpu.memory_space<hbm>>
      %dma_start3A_20 = tpu.memref_squeeze %dma_start3A_19 : memref<1x80x125xi32, #tpu.memory_space<hbm>> -> memref<80x125xi32, #tpu.memory_space<hbm>>
      %dma_start3A_21 = arith.constant 0 : i32
      %dma_start3A_22 = arith.constant 0 : i32
      %dma_start3A_23 = tpu.memref_slice %arg4[%add3A, %dma_start3A_21, %dma_start3A_22] : memref<32x80x125xi32, #tpu.memory_space<hbm>> -> memref<1x80x125xi32, #tpu.memory_space<hbm>>
      %dma_start3A_24 = tpu.memref_squeeze %dma_start3A_23 : memref<1x80x125xi32, #tpu.memory_space<hbm>> -> memref<80x125xi32, #tpu.memory_space<hbm>>
      tpu.enqueue_dma source(%dma_start3A_24 : memref<80x125xi32, #tpu.memory_space<hbm>>) target(%arg9 : memref<80x125xi32, #tpu.memory_space<vmem>>) target_semaphore(%run_scoped3A : memref<!tpu.dma_semaphore, #tpu.memory_space<semaphore_mem>>)
      %dma_wait3A = arith.constant 0 : i32
      %dma_wait3A_25 = arith.constant 0 : i32
      %dma_wait3A_26 = tpu.memref_slice %arg4[%add3A, %dma_wait3A, %dma_wait3A_25] : memref<32x80x125xi32, #tpu.memory_space<hbm>> -> memref<1x80x125xi32, #tpu.memory_space<hbm>>
      %dma_wait3A_27 = tpu.memref_squeeze %dma_wait3A_26 : memref<1x80x125xi32, #tpu.memory_space<hbm>> -> memref<80x125xi32, #tpu.memory_space<hbm>>
      %dma_wait3A_28 = arith.constant 0 : i32
      %dma_wait3A_29 = arith.constant 0 : i32
      %dma_wait3A_30 = tpu.memref_slice %arg4[%add3A, %dma_wait3A_28, %dma_wait3A_29] : memref<32x80x125xi32, #tpu.memory_space<hbm>> -> memref<1x80x125xi32, #tpu.memory_space<hbm>>
      %dma_wait3A_31 = tpu.memref_squeeze %dma_wait3A_30 : memref<1x80x125xi32, #tpu.memory_space<hbm>> -> memref<80x125xi32, #tpu.memory_space<hbm>>
      tpu.wait_dma2 semaphore(%run_scoped3A : memref<!tpu.dma_semaphore, #tpu.memory_space<semaphore_mem>>) src(%dma_wait3A_31 : memref<80x125xi32, #tpu.memory_space<hbm>>) dst(%arg9 : memref<80x125xi32, #tpu.memory_space<vmem>>)
      tpu.yield
    }) : () -> ()
    %mul3A_1 = arith.constant 640 : i32
    %mul3A_2 = arith.muli %arg1, %mul3A_1 : i32
    "tpu.region"() ({
      %run_scoped3A = tpu.sem_alloc : memref<!tpu.dma_semaphore, #tpu.memory_space<semaphore_mem>>
      %dma_start3A = arith.constant 0 : i32
      %dma_start3A_18 = tpu.memref_slice %arg11[%mul3A_2, %dma_start3A] : memref<10240x128xf32, #tpu.memory_space<vmem_shared>> -> memref<640x128xf32, #tpu.memory_space<vmem_shared>>
      %dma_start3A_19 = arith.constant 0 : i32
      %dma_start3A_20 = tpu.memref_slice %arg5[%mul3A_2, %dma_start3A_19] : memref<10240x128xf32, #tpu.memory_space<hbm>> -> memref<640x128xf32, #tpu.memory_space<hbm>>
      tpu.enqueue_dma source(%dma_start3A_20 : memref<640x128xf32, #tpu.memory_space<hbm>>) target(%dma_start3A_18 : memref<640x128xf32, #tpu.memory_space<vmem_shared>>) target_semaphore(%run_scoped3A : memref<!tpu.dma_semaphore, #tpu.memory_space<semaphore_mem>>)
      %dma_wait3A = arith.constant 0 : i32
      %dma_wait3A_21 = tpu.memref_slice %arg11[%mul3A_2, %dma_wait3A] : memref<10240x128xf32, #tpu.memory_space<vmem_shared>> -> memref<640x128xf32, #tpu.memory_space<vmem_shared>>
      %dma_wait3A_22 = arith.constant 0 : i32
      %dma_wait3A_23 = tpu.memref_slice %arg5[%mul3A_2, %dma_wait3A_22] : memref<10240x128xf32, #tpu.memory_space<hbm>> -> memref<640x128xf32, #tpu.memory_space<hbm>>
      tpu.wait_dma2 semaphore(%run_scoped3A : memref<!tpu.dma_semaphore, #tpu.memory_space<semaphore_mem>>) src(%dma_wait3A_23 : memref<640x128xf32, #tpu.memory_space<hbm>>) dst(%dma_wait3A_21 : memref<640x128xf32, #tpu.memory_space<vmem_shared>>)
      tpu.yield
    }) : () -> ()
    %barrier3A = arith.constant 0 : index
    tpu.barrier barrier_id(%barrier3A)
    %scan3A = arith.constant 0 : i32
    %scan3A_3 = arith.constant 0 : i32
    %scan3A_4 = arith.constant 80 : i32
    %scan3A_5 = arith.addi %scan3A_3, %scan3A_4 : i32
    %scan3A_6 = arith.constant 1 : i32
    scf.for %scan3A_18 = %scan3A_3 to %scan3A_5 step %scan3A_6  : i32 {
      %dma_start3A = arith.constant 0 : i32
      %dma_start3A_19 = tpu.memref_slice %arg8[%scan3A_18, %dma_start3A] : memref<80x125xi32, #tpu.memory_space<vmem>> -> memref<1x125xi32, #tpu.memory_space<vmem>>
      %dma_start3A_20 = tpu.memref_squeeze %dma_start3A_19 : memref<1x125xi32, #tpu.memory_space<vmem>> -> memref<125xi32, #tpu.memory_space<vmem>>
      %dma_start3A_21 = arith.constant 0 : i32
      %dma_start3A_22 = arith.constant 0 : i32
      %dma_start3A_23 = tpu.memref_slice %arg2[%dma_start3A_21, %dma_start3A_22] : memref<10000x128xf32, #tpu.memory_space<hbm>> -> memref<10000x128xf32, #tpu.memory_space<hbm>>
      tpu.enqueue_indirect_dma source(%dma_start3A_23 : memref<10000x128xf32, #tpu.memory_space<hbm>>) target(%arg10 : memref<125x128xf32, #tpu.memory_space<vmem>>) offsets(%dma_start3A_20 : memref<125xi32, #tpu.memory_space<vmem>>) semaphore(%arg12 : memref<!tpu.dma_semaphore, #tpu.memory_space<semaphore_mem>>)
      %dma_wait3A = arith.constant 0 : i32
      %dma_wait3A_24 = tpu.memref_slice %arg8[%scan3A_18, %dma_wait3A] : memref<80x125xi32, #tpu.memory_space<vmem>> -> memref<1x125xi32, #tpu.memory_space<vmem>>
      %dma_wait3A_25 = tpu.memref_squeeze %dma_wait3A_24 : memref<1x125xi32, #tpu.memory_space<vmem>> -> memref<125xi32, #tpu.memory_space<vmem>>
      %dma_wait3A_26 = arith.constant 0 : i32
      %dma_wait3A_27 = arith.constant 0 : i32
      %dma_wait3A_28 = tpu.memref_slice %arg2[%dma_wait3A_26, %dma_wait3A_27] : memref<10000x128xf32, #tpu.memory_space<hbm>> -> memref<10000x128xf32, #tpu.memory_space<hbm>>
      tpu.wait_indirect_dma semaphore(%arg12 : memref<!tpu.dma_semaphore, #tpu.memory_space<semaphore_mem>>) src(%dma_wait3A_28 : memref<10000x128xf32, #tpu.memory_space<hbm>>) dst(%arg10 : memref<125x128xf32, #tpu.memory_space<vmem>>)
      "tpu.region"() ({
        %run_scoped3A = tpu.sem_alloc : memref<!tpu.dma_semaphore, #tpu.memory_space<semaphore_mem>>
        %dma_start3A_29 = arith.constant 0 : i32
        %dma_start3A_30 = tpu.memref_slice %arg9[%scan3A_18, %dma_start3A_29] : memref<80x125xi32, #tpu.memory_space<vmem>> -> memref<1x125xi32, #tpu.memory_space<vmem>>
        %dma_start3A_31 = tpu.memref_squeeze %dma_start3A_30 : memref<1x125xi32, #tpu.memory_space<vmem>> -> memref<125xi32, #tpu.memory_space<vmem>>
        %dma_start3A_32 = arith.constant 0 : i32
        %dma_start3A_33 = arith.constant 0 : i32
        %dma_start3A_34 = tpu.memref_slice %arg11[%dma_start3A_32, %dma_start3A_33] : memref<10240x128xf32, #tpu.memory_space<vmem_shared>> -> memref<10240x128xf32, #tpu.memory_space<vmem_shared>>
        tpu.enqueue_indirect_dma source(%arg10 : memref<125x128xf32, #tpu.memory_space<vmem>>) target(%dma_start3A_34 : memref<10240x128xf32, #tpu.memory_space<vmem_shared>>) offsets(%dma_start3A_31 : memref<125xi32, #tpu.memory_space<vmem>>) semaphore(%run_scoped3A : memref<!tpu.dma_semaphore, #tpu.memory_space<semaphore_mem>>) {add = true}
        %dma_wait3A_35 = arith.constant 0 : i32
        %dma_wait3A_36 = tpu.memref_slice %arg9[%scan3A_18, %dma_wait3A_35] : memref<80x125xi32, #tpu.memory_space<vmem>> -> memref<1x125xi32, #tpu.memory_space<vmem>>
        %dma_wait3A_37 = tpu.memref_squeeze %dma_wait3A_36 : memref<1x125xi32, #tpu.memory_space<vmem>> -> memref<125xi32, #tpu.memory_space<vmem>>
        %dma_wait3A_38 = arith.constant 0 : i32
        %dma_wait3A_39 = arith.constant 0 : i32
        %dma_wait3A_40 = tpu.memref_slice %arg11[%dma_wait3A_38, %dma_wait3A_39] : memref<10240x128xf32, #tpu.memory_space<vmem_shared>> -> memref<10240x128xf32, #tpu.memory_space<vmem_shared>>
        tpu.wait_indirect_dma semaphore(%run_scoped3A : memref<!tpu.dma_semaphore, #tpu.memory_space<semaphore_mem>>) src(%arg10 : memref<125x128xf32, #tpu.memory_space<vmem>>) dst(%dma_wait3A_40 : memref<10240x128xf32, #tpu.memory_space<vmem_shared>>)
        tpu.yield
      }) : () -> ()
    }
    %scan3A_7 = arith.constant 80 : i32
    %barrier3A_8 = arith.constant 0 : index
    tpu.barrier barrier_id(%barrier3A_8)
    %mul3A_9 = arith.constant 640 : i32
    %mul3A_10 = arith.muli %arg1, %mul3A_9 : i32
    %eq3A = arith.constant 0 : i32
    %eq3A_11 = arith.cmpi eq, %arg0, %eq3A : i32
    %convert_element_type3A = arith.extui %eq3A_11 : i1 to i32
    %cond3A = arith.constant 0 : i32
    %cond3A_12 = arith.cmpi ne, %convert_element_type3A, %cond3A : i32
    scf.if %cond3A_12 {
      %lt3A = arith.constant 15 : i32
      %lt3A_18 = arith.cmpi slt, %arg1, %lt3A : i32
      %convert_element_type3A_19 = arith.extui %lt3A_18 : i1 to i32
      %cond3A_20 = arith.constant 0 : i32
      %cond3A_21 = arith.cmpi ne, %convert_element_type3A_19, %cond3A_20 : i32
      scf.if %cond3A_21 {
        "tpu.region"() ({
          %run_scoped3A = tpu.sem_alloc : memref<!tpu.dma_semaphore, #tpu.memory_space<semaphore_mem>>
          %dma_start3A = arith.constant 0 : i32
          %dma_start3A_27 = tpu.memref_slice %arg6[%mul3A_10, %dma_start3A] : memref<10000x128xf32, #tpu.memory_space<hbm>> -> memref<640x128xf32, #tpu.memory_space<hbm>>
          %dma_start3A_28 = arith.constant 0 : i32
          %dma_start3A_29 = tpu.memref_slice %arg11[%mul3A_10, %dma_start3A_28] : memref<10240x128xf32, #tpu.memory_space<vmem_shared>> -> memref<640x128xf32, #tpu.memory_space<vmem_shared>>
          tpu.enqueue_dma source(%dma_start3A_29 : memref<640x128xf32, #tpu.memory_space<vmem_shared>>) target(%dma_start3A_27 : memref<640x128xf32, #tpu.memory_space<hbm>>) target_semaphore(%run_scoped3A : memref<!tpu.dma_semaphore, #tpu.memory_space<semaphore_mem>>)
          %dma_wait3A = arith.constant 0 : i32
          %dma_wait3A_30 = tpu.memref_slice %arg6[%mul3A_10, %dma_wait3A] : memref<10000x128xf32, #tpu.memory_space<hbm>> -> memref<640x128xf32, #tpu.memory_space<hbm>>
          %dma_wait3A_31 = arith.constant 0 : i32
          %dma_wait3A_32 = tpu.memref_slice %arg11[%mul3A_10, %dma_wait3A_31] : memref<10240x128xf32, #tpu.memory_space<vmem_shared>> -> memref<640x128xf32, #tpu.memory_space<vmem_shared>>
          tpu.wait_dma2 semaphore(%run_scoped3A : memref<!tpu.dma_semaphore, #tpu.memory_space<semaphore_mem>>) src(%dma_wait3A_32 : memref<640x128xf32, #tpu.memory_space<vmem_shared>>) dst(%dma_wait3A_30 : memref<640x128xf32, #tpu.memory_space<hbm>>)
          tpu.yield
        }) : () -> ()
      } else {
      }
      %eq3A_22 = arith.constant 15 : i32
      %eq3A_23 = arith.cmpi eq, %arg1, %eq3A_22 : i32
      %convert_element_type3A_24 = arith.extui %eq3A_23 : i1 to i32
      %cond3A_25 = arith.constant 0 : i32
      %cond3A_26 = arith.cmpi ne, %convert_element_type3A_24, %cond3A_25 : i32
      scf.if %cond3A_26 {
        "tpu.region"() ({
          %run_scoped3A = tpu.sem_alloc : memref<!tpu.dma_semaphore, #tpu.memory_space<semaphore_mem>>
          %dma_start3A = arith.constant 0 : i32
          %dma_start3A_27 = tpu.memref_slice %arg6[%mul3A_10, %dma_start3A] : memref<10000x128xf32, #tpu.memory_space<hbm>> -> memref<400x128xf32, #tpu.memory_space<hbm>>
          %dma_start3A_28 = arith.constant 0 : i32
          %dma_start3A_29 = tpu.memref_slice %arg11[%mul3A_10, %dma_start3A_28] : memref<10240x128xf32, #tpu.memory_space<vmem_shared>> -> memref<400x128xf32, #tpu.memory_space<vmem_shared>>
          tpu.enqueue_dma source(%dma_start3A_29 : memref<400x128xf32, #tpu.memory_space<vmem_shared>>) target(%dma_start3A_27 : memref<400x128xf32, #tpu.memory_space<hbm>>) target_semaphore(%run_scoped3A : memref<!tpu.dma_semaphore, #tpu.memory_space<semaphore_mem>>)
          %dma_wait3A = arith.constant 0 : i32
          %dma_wait3A_30 = tpu.memref_slice %arg6[%mul3A_10, %dma_wait3A] : memref<10000x128xf32, #tpu.memory_space<hbm>> -> memref<400x128xf32, #tpu.memory_space<hbm>>
          %dma_wait3A_31 = arith.constant 0 : i32
          %dma_wait3A_32 = tpu.memref_slice %arg11[%mul3A_10, %dma_wait3A_31] : memref<10240x128xf32, #tpu.memory_space<vmem_shared>> -> memref<400x128xf32, #tpu.memory_space<vmem_shared>>
          tpu.wait_dma2 semaphore(%run_scoped3A : memref<!tpu.dma_semaphore, #tpu.memory_space<semaphore_mem>>) src(%dma_wait3A_32 : memref<400x128xf32, #tpu.memory_space<vmem_shared>>) dst(%dma_wait3A_30 : memref<400x128xf32, #tpu.memory_space<hbm>>)
          tpu.yield
        }) : () -> ()
      } else {
      }
    } else {
    }
    %eq3A_13 = arith.constant 1 : i32
    %eq3A_14 = arith.cmpi eq, %arg0, %eq3A_13 : i32
    %convert_element_type3A_15 = arith.extui %eq3A_14 : i1 to i32
    %cond3A_16 = arith.constant 0 : i32
    %cond3A_17 = arith.cmpi ne, %convert_element_type3A_15, %cond3A_16 : i32
    scf.if %cond3A_17 {
      %lt3A = arith.constant 15 : i32
      %lt3A_18 = arith.cmpi slt, %arg1, %lt3A : i32
      %convert_element_type3A_19 = arith.extui %lt3A_18 : i1 to i32
      %cond3A_20 = arith.constant 0 : i32
      %cond3A_21 = arith.cmpi ne, %convert_element_type3A_19, %cond3A_20 : i32
      scf.if %cond3A_21 {
        "tpu.region"() ({
          %run_scoped3A = tpu.sem_alloc : memref<!tpu.dma_semaphore, #tpu.memory_space<semaphore_mem>>
          %dma_start3A = arith.constant 0 : i32
          %dma_start3A_27 = tpu.memref_slice %arg7[%mul3A_10, %dma_start3A] : memref<10000x128xf32, #tpu.memory_space<hbm>> -> memref<640x128xf32, #tpu.memory_space<hbm>>
          %dma_start3A_28 = arith.constant 0 : i32
          %dma_start3A_29 = tpu.memref_slice %arg11[%mul3A_10, %dma_start3A_28] : memref<10240x128xf32, #tpu.memory_space<vmem_shared>> -> memref<640x128xf32, #tpu.memory_space<vmem_shared>>
          tpu.enqueue_dma source(%dma_start3A_29 : memref<640x128xf32, #tpu.memory_space<vmem_shared>>) target(%dma_start3A_27 : memref<640x128xf32, #tpu.memory_space<hbm>>) target_semaphore(%run_scoped3A : memref<!tpu.dma_semaphore, #tpu.memory_space<semaphore_mem>>)
          %dma_wait3A = arith.constant 0 : i32
          %dma_wait3A_30 = tpu.memref_slice %arg7[%mul3A_10, %dma_wait3A] : memref<10000x128xf32, #tpu.memory_space<hbm>> -> memref<640x128xf32, #tpu.memory_space<hbm>>
          %dma_wait3A_31 = arith.constant 0 : i32
          %dma_wait3A_32 = tpu.memref_slice %arg11[%mul3A_10, %dma_wait3A_31] : memref<10240x128xf32, #tpu.memory_space<vmem_shared>> -> memref<640x128xf32, #tpu.memory_space<vmem_shared>>
          tpu.wait_dma2 semaphore(%run_scoped3A : memref<!tpu.dma_semaphore, #tpu.memory_space<semaphore_mem>>) src(%dma_wait3A_32 : memref<640x128xf32, #tpu.memory_space<vmem_shared>>) dst(%dma_wait3A_30 : memref<640x128xf32, #tpu.memory_space<hbm>>)
          tpu.yield
        }) : () -> ()
      } else {
      }
      %eq3A_22 = arith.constant 15 : i32
      %eq3A_23 = arith.cmpi eq, %arg1, %eq3A_22 : i32
      %convert_element_type3A_24 = arith.extui %eq3A_23 : i1 to i32
      %cond3A_25 = arith.constant 0 : i32
      %cond3A_26 = arith.cmpi ne, %convert_element_type3A_24, %cond3A_25 : i32
      scf.if %cond3A_26 {
        "tpu.region"() ({
          %run_scoped3A = tpu.sem_alloc : memref<!tpu.dma_semaphore, #tpu.memory_space<semaphore_mem>>
          %dma_start3A = arith.constant 0 : i32
          %dma_start3A_27 = tpu.memref_slice %arg7[%mul3A_10, %dma_start3A] : memref<10000x128xf32, #tpu.memory_space<hbm>> -> memref<400x128xf32, #tpu.memory_space<hbm>>
          %dma_start3A_28 = arith.constant 0 : i32
          %dma_start3A_29 = tpu.memref_slice %arg11[%mul3A_10, %dma_start3A_28] : memref<10240x128xf32, #tpu.memory_space<vmem_shared>> -> memref<400x128xf32, #tpu.memory_space<vmem_shared>>
          tpu.enqueue_dma source(%dma_start3A_29 : memref<400x128xf32, #tpu.memory_space<vmem_shared>>) target(%dma_start3A_27 : memref<400x128xf32, #tpu.memory_space<hbm>>) target_semaphore(%run_scoped3A : memref<!tpu.dma_semaphore, #tpu.memory_space<semaphore_mem>>)
          %dma_wait3A = arith.constant 0 : i32
          %dma_wait3A_30 = tpu.memref_slice %arg7[%mul3A_10, %dma_wait3A] : memref<10000x128xf32, #tpu.memory_space<hbm>> -> memref<400x128xf32, #tpu.memory_space<hbm>>
          %dma_wait3A_31 = arith.constant 0 : i32
          %dma_wait3A_32 = tpu.memref_slice %arg11[%mul3A_10, %dma_wait3A_31] : memref<10240x128xf32, #tpu.memory_space<vmem_shared>> -> memref<400x128xf32, #tpu.memory_space<vmem_shared>>
          tpu.wait_dma2 semaphore(%run_scoped3A : memref<!tpu.dma_semaphore, #tpu.memory_space<semaphore_mem>>) src(%dma_wait3A_32 : memref<400x128xf32, #tpu.memory_space<vmem_shared>>) dst(%dma_wait3A_30 : memref<400x128xf32, #tpu.memory_space<hbm>>)
          tpu.yield
        }) : () -> ()
      } else {
      }
    } else {
    }
    return
  }
}

#map = affine_map<(d0, d1) -> (0, 0)>
#map1 = affine_map<(d0, d1) -> (0, 0, 0)>
module attributes {stable_mosaic.version = 14 : i64} {
  func.func @_agg_body(%arg0: i32, %arg1: i32, %arg2: memref<10000x128xf32, #tpu.memory_space<hbm>>, %arg3: memref<32x80x125xi32, #tpu.memory_space<hbm>>, %arg4: memref<32x80x125xi32, #tpu.memory_space<hbm>>, %arg5: memref<10240x128xf32, #tpu.memory_space<hbm>>, %arg6: memref<10000x128xf32, #tpu.memory_space<hbm>>, %arg7: memref<10000x128xf32, #tpu.memory_space<hbm>>, %arg8: memref<80x125xi32, #tpu.memory_space<vmem>>, %arg9: memref<80x125xi32, #tpu.memory_space<vmem>>, %arg10: memref<125x128xf32, #tpu.memory_space<vmem>>, %arg11: memref<10240x128xf32, #tpu.memory_space<vmem_shared>>, %arg12: memref<!tpu.dma_semaphore, #tpu.memory_space<semaphore_mem>>) attributes {dimension_semantics = [#tpu.dimension_semantics<core_parallel>, #tpu.dimension_semantics<subcore_parallel>], iteration_bounds = array<i64: 2, 16>, scalar_prefetch = 0 : i64, scratch_operands = 5 : i64, tpu.core_type = #tpu.core_type<sc_vector_subcore>, window_params = [{transform_indices = #map}, {transform_indices = #map1}, {transform_indices = #map1}, {transform_indices = #map}, {transform_indices = #map}, {transform_indices = #map}]} {
    %mul3A = arith.constant 16 : i32
    %mul3A_0 = arith.muli %arg0, %mul3A : i32
    %add3A = arith.addi %mul3A_0, %arg1 : i32
    "tpu.region"() ({
      %run_scoped3A = tpu.sem_alloc : memref<!tpu.dma_semaphore, #tpu.memory_space<semaphore_mem>>
      %dma_start3A = arith.constant 0 : i32
      %dma_start3A_18 = arith.constant 0 : i32
      %dma_start3A_19 = tpu.memref_slice %arg3[%add3A, %dma_start3A, %dma_start3A_18] : memref<32x80x125xi32, #tpu.memory_space<hbm>> -> memref<1x80x125xi32, #tpu.memory_space<hbm>>
      %dma_start3A_20 = tpu.memref_squeeze %dma_start3A_19 : memref<1x80x125xi32, #tpu.memory_space<hbm>> -> memref<80x125xi32, #tpu.memory_space<hbm>>
      %dma_start3A_21 = arith.constant 0 : i32
      %dma_start3A_22 = arith.constant 0 : i32
      %dma_start3A_23 = tpu.memref_slice %arg3[%add3A, %dma_start3A_21, %dma_start3A_22] : memref<32x80x125xi32, #tpu.memory_space<hbm>> -> memref<1x80x125xi32, #tpu.memory_space<hbm>>
      %dma_start3A_24 = tpu.memref_squeeze %dma_start3A_23 : memref<1x80x125xi32, #tpu.memory_space<hbm>> -> memref<80x125xi32, #tpu.memory_space<hbm>>
      tpu.enqueue_dma source(%dma_start3A_24 : memref<80x125xi32, #tpu.memory_space<hbm>>) target(%arg8 : memref<80x125xi32, #tpu.memory_space<vmem>>) target_semaphore(%run_scoped3A : memref<!tpu.dma_semaphore, #tpu.memory_space<semaphore_mem>>)
      %dma_wait3A = arith.constant 0 : i32
      %dma_wait3A_25 = arith.constant 0 : i32
      %dma_wait3A_26 = tpu.memref_slice %arg3[%add3A, %dma_wait3A, %dma_wait3A_25] : memref<32x80x125xi32, #tpu.memory_space<hbm>> -> memref<1x80x125xi32, #tpu.memory_space<hbm>>
      %dma_wait3A_27 = tpu.memref_squeeze %dma_wait3A_26 : memref<1x80x125xi32, #tpu.memory_space<hbm>> -> memref<80x125xi32, #tpu.memory_space<hbm>>
      %dma_wait3A_28 = arith.constant 0 : i32
      %dma_wait3A_29 = arith.constant 0 : i32
      %dma_wait3A_30 = tpu.memref_slice %arg3[%add3A, %dma_wait3A_28, %dma_wait3A_29] : memref<32x80x125xi32, #tpu.memory_space<hbm>> -> memref<1x80x125xi32, #tpu.memory_space<hbm>>
      %dma_wait3A_31 = tpu.memref_squeeze %dma_wait3A_30 : memref<1x80x125xi32, #tpu.memory_space<hbm>> -> memref<80x125xi32, #tpu.memory_space<hbm>>
      tpu.wait_dma2 semaphore(%run_scoped3A : memref<!tpu.dma_semaphore, #tpu.memory_space<semaphore_mem>>) src(%dma_wait3A_31 : memref<80x125xi32, #tpu.memory_space<hbm>>) dst(%arg8 : memref<80x125xi32, #tpu.memory_space<vmem>>)
      tpu.yield
    }) : () -> ()
    "tpu.region"() ({
      %run_scoped3A = tpu.sem_alloc : memref<!tpu.dma_semaphore, #tpu.memory_space<semaphore_mem>>
      %dma_start3A = arith.constant 0 : i32
      %dma_start3A_18 = arith.constant 0 : i32
      %dma_start3A_19 = tpu.memref_slice %arg4[%add3A, %dma_start3A, %dma_start3A_18] : memref<32x80x125xi32, #tpu.memory_space<hbm>> -> memref<1x80x125xi32, #tpu.memory_space<hbm>>
      %dma_start3A_20 = tpu.memref_squeeze %dma_start3A_19 : memref<1x80x125xi32, #tpu.memory_space<hbm>> -> memref<80x125xi32, #tpu.memory_space<hbm>>
      %dma_start3A_21 = arith.constant 0 : i32
      %dma_start3A_22 = arith.constant 0 : i32
      %dma_start3A_23 = tpu.memref_slice %arg4[%add3A, %dma_start3A_21, %dma_start3A_22] : memref<32x80x125xi32, #tpu.memory_space<hbm>> -> memref<1x80x125xi32, #tpu.memory_space<hbm>>
      %dma_start3A_24 = tpu.memref_squeeze %dma_start3A_23 : memref<1x80x125xi32, #tpu.memory_space<hbm>> -> memref<80x125xi32, #tpu.memory_space<hbm>>
      tpu.enqueue_dma source(%dma_start3A_24 : memref<80x125xi32, #tpu.memory_space<hbm>>) target(%arg9 : memref<80x125xi32, #tpu.memory_space<vmem>>) target_semaphore(%run_scoped3A : memref<!tpu.dma_semaphore, #tpu.memory_space<semaphore_mem>>)
      %dma_wait3A = arith.constant 0 : i32
      %dma_wait3A_25 = arith.constant 0 : i32
      %dma_wait3A_26 = tpu.memref_slice %arg4[%add3A, %dma_wait3A, %dma_wait3A_25] : memref<32x80x125xi32, #tpu.memory_space<hbm>> -> memref<1x80x125xi32, #tpu.memory_space<hbm>>
      %dma_wait3A_27 = tpu.memref_squeeze %dma_wait3A_26 : memref<1x80x125xi32, #tpu.memory_space<hbm>> -> memref<80x125xi32, #tpu.memory_space<hbm>>
      %dma_wait3A_28 = arith.constant 0 : i32
      %dma_wait3A_29 = arith.constant 0 : i32
      %dma_wait3A_30 = tpu.memref_slice %arg4[%add3A, %dma_wait3A_28, %dma_wait3A_29] : memref<32x80x125xi32, #tpu.memory_space<hbm>> -> memref<1x80x125xi32, #tpu.memory_space<hbm>>
      %dma_wait3A_31 = tpu.memref_squeeze %dma_wait3A_30 : memref<1x80x125xi32, #tpu.memory_space<hbm>> -> memref<80x125xi32, #tpu.memory_space<hbm>>
      tpu.wait_dma2 semaphore(%run_scoped3A : memref<!tpu.dma_semaphore, #tpu.memory_space<semaphore_mem>>) src(%dma_wait3A_31 : memref<80x125xi32, #tpu.memory_space<hbm>>) dst(%arg9 : memref<80x125xi32, #tpu.memory_space<vmem>>)
      tpu.yield
    }) : () -> ()
    %mul3A_1 = arith.constant 640 : i32
    %mul3A_2 = arith.muli %arg1, %mul3A_1 : i32
    "tpu.region"() ({
      %run_scoped3A = tpu.sem_alloc : memref<!tpu.dma_semaphore, #tpu.memory_space<semaphore_mem>>
      %dma_start3A = arith.constant 0 : i32
      %dma_start3A_18 = tpu.memref_slice %arg11[%mul3A_2, %dma_start3A] : memref<10240x128xf32, #tpu.memory_space<vmem_shared>> -> memref<640x128xf32, #tpu.memory_space<vmem_shared>>
      %dma_start3A_19 = arith.constant 0 : i32
      %dma_start3A_20 = tpu.memref_slice %arg5[%mul3A_2, %dma_start3A_19] : memref<10240x128xf32, #tpu.memory_space<hbm>> -> memref<640x128xf32, #tpu.memory_space<hbm>>
      tpu.enqueue_dma source(%dma_start3A_20 : memref<640x128xf32, #tpu.memory_space<hbm>>) target(%dma_start3A_18 : memref<640x128xf32, #tpu.memory_space<vmem_shared>>) target_semaphore(%run_scoped3A : memref<!tpu.dma_semaphore, #tpu.memory_space<semaphore_mem>>)
      %dma_wait3A = arith.constant 0 : i32
      %dma_wait3A_21 = tpu.memref_slice %arg11[%mul3A_2, %dma_wait3A] : memref<10240x128xf32, #tpu.memory_space<vmem_shared>> -> memref<640x128xf32, #tpu.memory_space<vmem_shared>>
      %dma_wait3A_22 = arith.constant 0 : i32
      %dma_wait3A_23 = tpu.memref_slice %arg5[%mul3A_2, %dma_wait3A_22] : memref<10240x128xf32, #tpu.memory_space<hbm>> -> memref<640x128xf32, #tpu.memory_space<hbm>>
      tpu.wait_dma2 semaphore(%run_scoped3A : memref<!tpu.dma_semaphore, #tpu.memory_space<semaphore_mem>>) src(%dma_wait3A_23 : memref<640x128xf32, #tpu.memory_space<hbm>>) dst(%dma_wait3A_21 : memref<640x128xf32, #tpu.memory_space<vmem_shared>>)
      tpu.yield
    }) : () -> ()
    %barrier3A = arith.constant 0 : index
    tpu.barrier barrier_id(%barrier3A)
    %scan3A = arith.constant 0 : i32
    %scan3A_3 = arith.constant 0 : i32
    %scan3A_4 = arith.constant 80 : i32
    %scan3A_5 = arith.addi %scan3A_3, %scan3A_4 : i32
    %scan3A_6 = arith.constant 1 : i32
    scf.for %scan3A_18 = %scan3A_3 to %scan3A_5 step %scan3A_6  : i32 {
      %dma_start3A = arith.constant 0 : i32
      %dma_start3A_19 = tpu.memref_slice %arg8[%scan3A_18, %dma_start3A] : memref<80x125xi32, #tpu.memory_space<vmem>> -> memref<1x125xi32, #tpu.memory_space<vmem>>
      %dma_start3A_20 = tpu.memref_squeeze %dma_start3A_19 : memref<1x125xi32, #tpu.memory_space<vmem>> -> memref<125xi32, #tpu.memory_space<vmem>>
      %dma_start3A_21 = arith.constant 0 : i32
      %dma_start3A_22 = arith.constant 0 : i32
      %dma_start3A_23 = tpu.memref_slice %arg2[%dma_start3A_21, %dma_start3A_22] : memref<10000x128xf32, #tpu.memory_space<hbm>> -> memref<10000x128xf32, #tpu.memory_space<hbm>>
      tpu.enqueue_indirect_dma source(%dma_start3A_23 : memref<10000x128xf32, #tpu.memory_space<hbm>>) target(%arg10 : memref<125x128xf32, #tpu.memory_space<vmem>>) offsets(%dma_start3A_20 : memref<125xi32, #tpu.memory_space<vmem>>) semaphore(%arg12 : memref<!tpu.dma_semaphore, #tpu.memory_space<semaphore_mem>>)
      %dma_wait3A = arith.constant 0 : i32
      %dma_wait3A_24 = tpu.memref_slice %arg8[%scan3A_18, %dma_wait3A] : memref<80x125xi32, #tpu.memory_space<vmem>> -> memref<1x125xi32, #tpu.memory_space<vmem>>
      %dma_wait3A_25 = tpu.memref_squeeze %dma_wait3A_24 : memref<1x125xi32, #tpu.memory_space<vmem>> -> memref<125xi32, #tpu.memory_space<vmem>>
      %dma_wait3A_26 = arith.constant 0 : i32
      %dma_wait3A_27 = arith.constant 0 : i32
      %dma_wait3A_28 = tpu.memref_slice %arg2[%dma_wait3A_26, %dma_wait3A_27] : memref<10000x128xf32, #tpu.memory_space<hbm>> -> memref<10000x128xf32, #tpu.memory_space<hbm>>
      tpu.wait_indirect_dma semaphore(%arg12 : memref<!tpu.dma_semaphore, #tpu.memory_space<semaphore_mem>>) src(%dma_wait3A_28 : memref<10000x128xf32, #tpu.memory_space<hbm>>) dst(%arg10 : memref<125x128xf32, #tpu.memory_space<vmem>>)
      "tpu.region"() ({
        %run_scoped3A = tpu.sem_alloc : memref<!tpu.dma_semaphore, #tpu.memory_space<semaphore_mem>>
        %dma_start3A_29 = arith.constant 0 : i32
        %dma_start3A_30 = tpu.memref_slice %arg9[%scan3A_18, %dma_start3A_29] : memref<80x125xi32, #tpu.memory_space<vmem>> -> memref<1x125xi32, #tpu.memory_space<vmem>>
        %dma_start3A_31 = tpu.memref_squeeze %dma_start3A_30 : memref<1x125xi32, #tpu.memory_space<vmem>> -> memref<125xi32, #tpu.memory_space<vmem>>
        %dma_start3A_32 = arith.constant 0 : i32
        %dma_start3A_33 = arith.constant 0 : i32
        %dma_start3A_34 = tpu.memref_slice %arg11[%dma_start3A_32, %dma_start3A_33] : memref<10240x128xf32, #tpu.memory_space<vmem_shared>> -> memref<10240x128xf32, #tpu.memory_space<vmem_shared>>
        tpu.enqueue_indirect_dma source(%arg10 : memref<125x128xf32, #tpu.memory_space<vmem>>) target(%dma_start3A_34 : memref<10240x128xf32, #tpu.memory_space<vmem_shared>>) offsets(%dma_start3A_31 : memref<125xi32, #tpu.memory_space<vmem>>) semaphore(%run_scoped3A : memref<!tpu.dma_semaphore, #tpu.memory_space<semaphore_mem>>) {add = true}
        %dma_wait3A_35 = arith.constant 0 : i32
        %dma_wait3A_36 = tpu.memref_slice %arg9[%scan3A_18, %dma_wait3A_35] : memref<80x125xi32, #tpu.memory_space<vmem>> -> memref<1x125xi32, #tpu.memory_space<vmem>>
        %dma_wait3A_37 = tpu.memref_squeeze %dma_wait3A_36 : memref<1x125xi32, #tpu.memory_space<vmem>> -> memref<125xi32, #tpu.memory_space<vmem>>
        %dma_wait3A_38 = arith.constant 0 : i32
        %dma_wait3A_39 = arith.constant 0 : i32
        %dma_wait3A_40 = tpu.memref_slice %arg11[%dma_wait3A_38, %dma_wait3A_39] : memref<10240x128xf32, #tpu.memory_space<vmem_shared>> -> memref<10240x128xf32, #tpu.memory_space<vmem_shared>>
        tpu.wait_indirect_dma semaphore(%run_scoped3A : memref<!tpu.dma_semaphore, #tpu.memory_space<semaphore_mem>>) src(%arg10 : memref<125x128xf32, #tpu.memory_space<vmem>>) dst(%dma_wait3A_40 : memref<10240x128xf32, #tpu.memory_space<vmem_shared>>)
        tpu.yield
      }) : () -> ()
    }
    %scan3A_7 = arith.constant 80 : i32
    %barrier3A_8 = arith.constant 0 : index
    tpu.barrier barrier_id(%barrier3A_8)
    %mul3A_9 = arith.constant 640 : i32
    %mul3A_10 = arith.muli %arg1, %mul3A_9 : i32
    %eq3A = arith.constant 0 : i32
    %eq3A_11 = arith.cmpi eq, %arg0, %eq3A : i32
    %convert_element_type3A = arith.extui %eq3A_11 : i1 to i32
    %cond3A = arith.constant 0 : i32
    %cond3A_12 = arith.cmpi ne, %convert_element_type3A, %cond3A : i32
    scf.if %cond3A_12 {
      %lt3A = arith.constant 15 : i32
      %lt3A_18 = arith.cmpi slt, %arg1, %lt3A : i32
      %convert_element_type3A_19 = arith.extui %lt3A_18 : i1 to i32
      %cond3A_20 = arith.constant 0 : i32
      %cond3A_21 = arith.cmpi ne, %convert_element_type3A_19, %cond3A_20 : i32
      scf.if %cond3A_21 {
        "tpu.region"() ({
          %run_scoped3A = tpu.sem_alloc : memref<!tpu.dma_semaphore, #tpu.memory_space<semaphore_mem>>
          %dma_start3A = arith.constant 0 : i32
          %dma_start3A_27 = tpu.memref_slice %arg6[%mul3A_10, %dma_start3A] : memref<10000x128xf32, #tpu.memory_space<hbm>> -> memref<640x128xf32, #tpu.memory_space<hbm>>
          %dma_start3A_28 = arith.constant 0 : i32
          %dma_start3A_29 = tpu.memref_slice %arg11[%mul3A_10, %dma_start3A_28] : memref<10240x128xf32, #tpu.memory_space<vmem_shared>> -> memref<640x128xf32, #tpu.memory_space<vmem_shared>>
          tpu.enqueue_dma source(%dma_start3A_29 : memref<640x128xf32, #tpu.memory_space<vmem_shared>>) target(%dma_start3A_27 : memref<640x128xf32, #tpu.memory_space<hbm>>) target_semaphore(%run_scoped3A : memref<!tpu.dma_semaphore, #tpu.memory_space<semaphore_mem>>)
          %dma_wait3A = arith.constant 0 : i32
          %dma_wait3A_30 = tpu.memref_slice %arg6[%mul3A_10, %dma_wait3A] : memref<10000x128xf32, #tpu.memory_space<hbm>> -> memref<640x128xf32, #tpu.memory_space<hbm>>
          %dma_wait3A_31 = arith.constant 0 : i32
          %dma_wait3A_32 = tpu.memref_slice %arg11[%mul3A_10, %dma_wait3A_31] : memref<10240x128xf32, #tpu.memory_space<vmem_shared>> -> memref<640x128xf32, #tpu.memory_space<vmem_shared>>
          tpu.wait_dma2 semaphore(%run_scoped3A : memref<!tpu.dma_semaphore, #tpu.memory_space<semaphore_mem>>) src(%dma_wait3A_32 : memref<640x128xf32, #tpu.memory_space<vmem_shared>>) dst(%dma_wait3A_30 : memref<640x128xf32, #tpu.memory_space<hbm>>)
          tpu.yield
        }) : () -> ()
      } else {
      }
      %eq3A_22 = arith.constant 15 : i32
      %eq3A_23 = arith.cmpi eq, %arg1, %eq3A_22 : i32
      %convert_element_type3A_24 = arith.extui %eq3A_23 : i1 to i32
      %cond3A_25 = arith.constant 0 : i32
      %cond3A_26 = arith.cmpi ne, %convert_element_type3A_24, %cond3A_25 : i32
      scf.if %cond3A_26 {
        "tpu.region"() ({
          %run_scoped3A = tpu.sem_alloc : memref<!tpu.dma_semaphore, #tpu.memory_space<semaphore_mem>>
          %dma_start3A = arith.constant 0 : i32
          %dma_start3A_27 = tpu.memref_slice %arg6[%mul3A_10, %dma_start3A] : memref<10000x128xf32, #tpu.memory_space<hbm>> -> memref<400x128xf32, #tpu.memory_space<hbm>>
          %dma_start3A_28 = arith.constant 0 : i32
          %dma_start3A_29 = tpu.memref_slice %arg11[%mul3A_10, %dma_start3A_28] : memref<10240x128xf32, #tpu.memory_space<vmem_shared>> -> memref<400x128xf32, #tpu.memory_space<vmem_shared>>
          tpu.enqueue_dma source(%dma_start3A_29 : memref<400x128xf32, #tpu.memory_space<vmem_shared>>) target(%dma_start3A_27 : memref<400x128xf32, #tpu.memory_space<hbm>>) target_semaphore(%run_scoped3A : memref<!tpu.dma_semaphore, #tpu.memory_space<semaphore_mem>>)
          %dma_wait3A = arith.constant 0 : i32
          %dma_wait3A_30 = tpu.memref_slice %arg6[%mul3A_10, %dma_wait3A] : memref<10000x128xf32, #tpu.memory_space<hbm>> -> memref<400x128xf32, #tpu.memory_space<hbm>>
          %dma_wait3A_31 = arith.constant 0 : i32
          %dma_wait3A_32 = tpu.memref_slice %arg11[%mul3A_10, %dma_wait3A_31] : memref<10240x128xf32, #tpu.memory_space<vmem_shared>> -> memref<400x128xf32, #tpu.memory_space<vmem_shared>>
          tpu.wait_dma2 semaphore(%run_scoped3A : memref<!tpu.dma_semaphore, #tpu.memory_space<semaphore_mem>>) src(%dma_wait3A_32 : memref<400x128xf32, #tpu.memory_space<vmem_shared>>) dst(%dma_wait3A_30 : memref<400x128xf32, #tpu.memory_space<hbm>>)
          tpu.yield
        }) : () -> ()
      } else {
      }
    } else {
    }
    %eq3A_13 = arith.constant 1 : i32
    %eq3A_14 = arith.cmpi eq, %arg0, %eq3A_13 : i32
    %convert_element_type3A_15 = arith.extui %eq3A_14 : i1 to i32
    %cond3A_16 = arith.constant 0 : i32
    %cond3A_17 = arith.cmpi ne, %convert_element_type3A_15, %cond3A_16 : i32
    scf.if %cond3A_17 {
      %lt3A = arith.constant 15 : i32
      %lt3A_18 = arith.cmpi slt, %arg1, %lt3A : i32
      %convert_element_type3A_19 = arith.extui %lt3A_18 : i1 to i32
      %cond3A_20 = arith.constant 0 : i32
      %cond3A_21 = arith.cmpi ne, %convert_element_type3A_19, %cond3A_20 : i32
      scf.if %cond3A_21 {
        "tpu.region"() ({
          %run_scoped3A = tpu.sem_alloc : memref<!tpu.dma_semaphore, #tpu.memory_space<semaphore_mem>>
          %dma_start3A = arith.constant 0 : i32
          %dma_start3A_27 = tpu.memref_slice %arg7[%mul3A_10, %dma_start3A] : memref<10000x128xf32, #tpu.memory_space<hbm>> -> memref<640x128xf32, #tpu.memory_space<hbm>>
          %dma_start3A_28 = arith.constant 0 : i32
          %dma_start3A_29 = tpu.memref_slice %arg11[%mul3A_10, %dma_start3A_28] : memref<10240x128xf32, #tpu.memory_space<vmem_shared>> -> memref<640x128xf32, #tpu.memory_space<vmem_shared>>
          tpu.enqueue_dma source(%dma_start3A_29 : memref<640x128xf32, #tpu.memory_space<vmem_shared>>) target(%dma_start3A_27 : memref<640x128xf32, #tpu.memory_space<hbm>>) target_semaphore(%run_scoped3A : memref<!tpu.dma_semaphore, #tpu.memory_space<semaphore_mem>>)
          %dma_wait3A = arith.constant 0 : i32
          %dma_wait3A_30 = tpu.memref_slice %arg7[%mul3A_10, %dma_wait3A] : memref<10000x128xf32, #tpu.memory_space<hbm>> -> memref<640x128xf32, #tpu.memory_space<hbm>>
          %dma_wait3A_31 = arith.constant 0 : i32
          %dma_wait3A_32 = tpu.memref_slice %arg11[%mul3A_10, %dma_wait3A_31] : memref<10240x128xf32, #tpu.memory_space<vmem_shared>> -> memref<640x128xf32, #tpu.memory_space<vmem_shared>>
          tpu.wait_dma2 semaphore(%run_scoped3A : memref<!tpu.dma_semaphore, #tpu.memory_space<semaphore_mem>>) src(%dma_wait3A_32 : memref<640x128xf32, #tpu.memory_space<vmem_shared>>) dst(%dma_wait3A_30 : memref<640x128xf32, #tpu.memory_space<hbm>>)
          tpu.yield
        }) : () -> ()
      } else {
      }
      %eq3A_22 = arith.constant 15 : i32
      %eq3A_23 = arith.cmpi eq, %arg1, %eq3A_22 : i32
      %convert_element_type3A_24 = arith.extui %eq3A_23 : i1 to i32
      %cond3A_25 = arith.constant 0 : i32
      %cond3A_26 = arith.cmpi ne, %convert_element_type3A_24, %cond3A_25 : i32
      scf.if %cond3A_26 {
        "tpu.region"() ({
          %run_scoped3A = tpu.sem_alloc : memref<!tpu.dma_semaphore, #tpu.memory_space<semaphore_mem>>
          %dma_start3A = arith.constant 0 : i32
          %dma_start3A_27 = tpu.memref_slice %arg7[%mul3A_10, %dma_start3A] : memref<10000x128xf32, #tpu.memory_space<hbm>> -> memref<400x128xf32, #tpu.memory_space<hbm>>
          %dma_start3A_28 = arith.constant 0 : i32
          %dma_start3A_29 = tpu.memref_slice %arg11[%mul3A_10, %dma_start3A_28] : memref<10240x128xf32, #tpu.memory_space<vmem_shared>> -> memref<400x128xf32, #tpu.memory_space<vmem_shared>>
          tpu.enqueue_dma source(%dma_start3A_29 : memref<400x128xf32, #tpu.memory_space<vmem_shared>>) target(%dma_start3A_27 : memref<400x128xf32, #tpu.memory_space<hbm>>) target_semaphore(%run_scoped3A : memref<!tpu.dma_semaphore, #tpu.memory_space<semaphore_mem>>)
          %dma_wait3A = arith.constant 0 : i32
          %dma_wait3A_30 = tpu.memref_slice %arg7[%mul3A_10, %dma_wait3A] : memref<10000x128xf32, #tpu.memory_space<hbm>> -> memref<400x128xf32, #tpu.memory_space<hbm>>
          %dma_wait3A_31 = arith.constant 0 : i32
          %dma_wait3A_32 = tpu.memref_slice %arg11[%mul3A_10, %dma_wait3A_31] : memref<10240x128xf32, #tpu.memory_space<vmem_shared>> -> memref<400x128xf32, #tpu.memory_space<vmem_shared>>
          tpu.wait_dma2 semaphore(%run_scoped3A : memref<!tpu.dma_semaphore, #tpu.memory_space<semaphore_mem>>) src(%dma_wait3A_32 : memref<400x128xf32, #tpu.memory_space<vmem_shared>>) dst(%dma_wait3A_30 : memref<400x128xf32, #tpu.memory_space<hbm>>)
          tpu.yield
        }) : () -> ()
      } else {
      }
    } else {
    }
    return
  }
}

module attributes {stable_mosaic.version = 14 : i64} {
  func.func @_tc1_body(%arg0: i32, %arg1: memref<2000x128xf32, #tpu.memory_space<vmem>>, %arg2: memref<2000x128xf32, #tpu.memory_space<vmem>>, %arg3: memref<2000x16xf32, #tpu.memory_space<vmem>>, %arg4: memref<2000x16xf32, #tpu.memory_space<vmem>>, %arg5: memref<2000x128xf32, #tpu.memory_space<vmem>>, %arg6: memref<128x128xf32, #tpu.memory_space<vmem>>, %arg7: memref<1x128xf32, #tpu.memory_space<vmem>>, %arg8: memref<128x128xf32, #tpu.memory_space<vmem>>, %arg9: memref<2000x128xf32, #tpu.memory_space<vmem>>) attributes {dimension_semantics = [#tpu.dimension_semantics<arbitrary>], iteration_bounds = array<i64: 5>, scalar_prefetch = 0 : i64, scratch_operands = 0 : i64, tpu.core_type = #tpu.core_type<tc>, window_params = [{transform_indices = @transform_0, window_bounds = array<i64: 2000, 128>}, {transform_indices = @transform_1, window_bounds = array<i64: 2000, 128>}, {transform_indices = @transform_2, window_bounds = array<i64: 2000, 16>}, {transform_indices = @transform_3, window_bounds = array<i64: 2000, 16>}, {transform_indices = @transform_4, window_bounds = array<i64: 2000, 128>}, {pipeline_mode = #tpu.pipeline_mode<synchronous>, transform_indices = @transform_5, window_bounds = array<i64: 128, 128>}, {pipeline_mode = #tpu.pipeline_mode<synchronous>, transform_indices = @transform_6, window_bounds = array<i64: 1, 128>}, {pipeline_mode = #tpu.pipeline_mode<synchronous>, transform_indices = @transform_7, window_bounds = array<i64: 128, 128>}, {transform_indices = @transform_8, window_bounds = array<i64: 2000, 128>}]} {
    %get3A = arith.constant 0 : index
    %get3A_0 = arith.constant 0 : index
    %get3A_1 = vector.load %arg3[%get3A, %get3A_0] : memref<2000x16xf32, #tpu.memory_space<vmem>>, vector<2000x16xf32>
    %get3A_2 = arith.constant 0 : index
    %get3A_3 = arith.constant 0 : index
    %get3A_4 = vector.load %arg4[%get3A_2, %get3A_3] : memref<2000x16xf32, #tpu.memory_space<vmem>>, vector<2000x16xf32>
    %add3A = arith.addf %get3A_1, %get3A_4 : vector<2000x16xf32>
    %reduce_max3A = arith.constant dense<0xFF800000> : vector<2000xf32>
    %reduce_max3A_5 = vector.multi_reduction <maximumf>, %add3A, %reduce_max3A [1] : vector<2000x16xf32> to vector<2000xf32>
    %broadcast_in_dim3A = vector.shape_cast %reduce_max3A_5 : vector<2000xf32> to vector<2000x1xf32>
    %max3A = arith.constant 1.000000e+00 : f32
    %max3A_6 = vector.broadcast %max3A : f32 to vector<2000x1xf32>
    %max3A_7 = arith.maximumf %broadcast_in_dim3A, %max3A_6 : vector<2000x1xf32>
    %get3A_8 = arith.constant 0 : index
    %get3A_9 = arith.constant 0 : index
    %get3A_10 = vector.load %arg1[%get3A_8, %get3A_9] : memref<2000x128xf32, #tpu.memory_space<vmem>>, vector<2000x128xf32>
    %get3A_11 = arith.constant 0 : index
    %get3A_12 = arith.constant 0 : index
    %get3A_13 = vector.load %arg2[%get3A_11, %get3A_12] : memref<2000x128xf32, #tpu.memory_space<vmem>>, vector<2000x128xf32>
    %add3A_14 = arith.addf %get3A_10, %get3A_13 : vector<2000x128xf32>
    %div3A = vector.broadcast %max3A_7 : vector<2000x1xf32> to vector<2000x128xf32>
    %div3A_15 = arith.divf %add3A_14, %div3A : vector<2000x128xf32>
    %get3A_16 = arith.constant 0 : index
    %get3A_17 = arith.constant 0 : index
    %get3A_18 = vector.load %arg6[%get3A_16, %get3A_17] : memref<128x128xf32, #tpu.memory_space<vmem>>, vector<128x128xf32>
    %dot_general3A = arith.constant dense<0.000000e+00> : vector<2000x128xf32>
    %dot_general3A_19 = tpu.matmul %div3A_15, %get3A_18, %dot_general3A {dimension_numbers = #tpu.dot_dimension_numbers<[1], [1], [0], [0], [0, 0, 1, 0], [], []>, precision = #tpu.contract_precision<fp32>, transpose_lhs_hint = false} : vector<2000x128xf32>, vector<128x128xf32>, vector<2000x128xf32> -> vector<2000x128xf32>
    %get3A_20 = arith.constant 0 : index
    %get3A_21 = arith.constant 0 : index
    %get3A_22 = vector.load %arg7[%get3A_20, %get3A_21] : memref<1x128xf32, #tpu.memory_space<vmem>>, vector<1x128xf32>
    %add3A_23 = vector.broadcast %get3A_22 : vector<1x128xf32> to vector<2000x128xf32>
    %add3A_24 = arith.addf %dot_general3A_19, %add3A_23 : vector<2000x128xf32>
    %get3A_25 = arith.constant 0 : index
    %get3A_26 = arith.constant 0 : index
    %get3A_27 = vector.load %arg5[%get3A_25, %get3A_26] : memref<2000x128xf32, #tpu.memory_space<vmem>>, vector<2000x128xf32>
    %get3A_28 = arith.constant 0 : index
    %get3A_29 = arith.constant 0 : index
    %get3A_30 = vector.load %arg8[%get3A_28, %get3A_29] : memref<128x128xf32, #tpu.memory_space<vmem>>, vector<128x128xf32>
    %dot_general3A_31 = arith.constant dense<0.000000e+00> : vector<2000x128xf32>
    %dot_general3A_32 = tpu.matmul %get3A_27, %get3A_30, %dot_general3A_31 {dimension_numbers = #tpu.dot_dimension_numbers<[1], [1], [0], [0], [0, 0, 1, 0], [], []>, precision = #tpu.contract_precision<fp32>, transpose_lhs_hint = false} : vector<2000x128xf32>, vector<128x128xf32>, vector<2000x128xf32> -> vector<2000x128xf32>
    %add3A_33 = arith.addf %add3A_24, %dot_general3A_32 : vector<2000x128xf32>
    %ge3A = arith.constant 0.000000e+00 : f32
    %ge3A_34 = vector.broadcast %ge3A : f32 to vector<2000x128xf32>
    %ge3A_35 = arith.cmpf oge, %add3A_33, %ge3A_34 : vector<2000x128xf32>
    %mul3A = arith.constant 0.00999999977 : f32
    %mul3A_36 = vector.broadcast %mul3A : f32 to vector<2000x128xf32>
    %mul3A_37 = arith.mulf %mul3A_36, %add3A_33 : vector<2000x128xf32>
    %select_n3A = arith.select %ge3A_35, %add3A_33, %mul3A_37 : vector<2000x128xi1>, vector<2000x128xf32>
    %swap3A = arith.constant 0 : index
    %swap3A_38 = arith.constant 0 : index
    %swap3A_39 = vector.load %arg9[%swap3A, %swap3A_38] : memref<2000x128xf32, #tpu.memory_space<vmem>>, vector<2000x128xf32>
    tpu.vector_store %arg9[%swap3A, %swap3A_38], %select_n3A {strides = array<i32>} : memref<2000x128xf32, #tpu.memory_space<vmem>>, vector<2000x128xf32>,
    return
  }
  func.func @transform_0(%arg0: i32) -> (i32, i32) {
    %c0_i32 = arith.constant 0 : i32
    %c0_i32_0 = arith.constant 0 : i32
    return %arg0, %c0_i32 : i32, i32
  }
  func.func @transform_1(%arg0: i32) -> (i32, i32) {
    %c0_i32 = arith.constant 0 : i32
    %c0_i32_0 = arith.constant 0 : i32
    return %arg0, %c0_i32 : i32, i32
  }
  func.func @transform_2(%arg0: i32) -> (i32, i32) {
    %c0_i32 = arith.constant 0 : i32
    %c0_i32_0 = arith.constant 0 : i32
    return %arg0, %c0_i32 : i32, i32
  }
  func.func @transform_3(%arg0: i32) -> (i32, i32) {
    %c0_i32 = arith.constant 0 : i32
    %c0_i32_0 = arith.constant 0 : i32
    return %arg0, %c0_i32 : i32, i32
  }
  func.func @transform_4(%arg0: i32) -> (i32, i32) {
    %c0_i32 = arith.constant 0 : i32
    %c0_i32_0 = arith.constant 0 : i32
    return %arg0, %c0_i32 : i32, i32
  }
  func.func @transform_5(%arg0: i32) -> (i32, i32) {
    %c0_i32 = arith.constant 0 : i32
    %c0_i32_0 = arith.constant 0 : i32
    %c0_i32_1 = arith.constant 0 : i32
    return %c0_i32, %c0_i32_0 : i32, i32
  }
  func.func @transform_6(%arg0: i32) -> (i32, i32) {
    %c0_i32 = arith.constant 0 : i32
    %c0_i32_0 = arith.constant 0 : i32
    %c0_i32_1 = arith.constant 0 : i32
    return %c0_i32, %c0_i32_0 : i32, i32
  }
  func.func @transform_7(%arg0: i32) -> (i32, i32) {
    %c0_i32 = arith.constant 0 : i32
    %c0_i32_0 = arith.constant 0 : i32
    %c0_i32_1 = arith.constant 0 : i32
    return %c0_i32, %c0_i32_0 : i32, i32
  }
  func.func @transform_8(%arg0: i32) -> (i32, i32) {
    %c0_i32 = arith.constant 0 : i32
    %c0_i32_0 = arith.constant 0 : i32
    return %arg0, %c0_i32 : i32, i32
  }
}

module attributes {stable_mosaic.version = 14 : i64} {
  func.func @_tc2_body(%arg0: i32, %arg1: memref<2000x128xf32, #tpu.memory_space<vmem>>, %arg2: memref<2000x128xf32, #tpu.memory_space<vmem>>, %arg3: memref<2000x16xf32, #tpu.memory_space<vmem>>, %arg4: memref<2000x16xf32, #tpu.memory_space<vmem>>, %arg5: memref<2000x128xf32, #tpu.memory_space<vmem>>, %arg6: memref<2000x1xi32, #tpu.memory_space<vmem>>, %arg7: memref<128x128xf32, #tpu.memory_space<vmem>>, %arg8: memref<1x128xf32, #tpu.memory_space<vmem>>, %arg9: memref<128x128xf32, #tpu.memory_space<vmem>>, %arg10: memref<64x128xf32, #tpu.memory_space<vmem>>, %arg11: memref<1x64xf32, #tpu.memory_space<vmem>>, %arg12: memref<64x64xf32, #tpu.memory_space<vmem>>, %arg13: memref<64x10xf32, #tpu.memory_space<vmem>>, %arg14: memref<10x160xf32, #tpu.memory_space<vmem>>, %arg15: memref<16x160xf32, #tpu.memory_space<vmem>>, %arg16: memref<128x128xf32, #tpu.memory_space<vmem>>, %arg17: memref<1x128xf32, #tpu.memory_space<vmem>>, %arg18: memref<10x128xf32, #tpu.memory_space<vmem>>, %arg19: memref<1x10xf32, #tpu.memory_space<vmem>>, %arg20: memref<16x10xf32, #tpu.memory_space<vmem>>, %arg21: memref<160x128xf32, #tpu.memory_space<vmem>>) attributes {dimension_semantics = [#tpu.dimension_semantics<arbitrary>], iteration_bounds = array<i64: 5>, scalar_prefetch = 0 : i64, scratch_operands = 1 : i64, tpu.core_type = #tpu.core_type<tc>, window_params = [{transform_indices = @transform_0, window_bounds = array<i64: 2000, 128>}, {transform_indices = @transform_1, window_bounds = array<i64: 2000, 128>}, {transform_indices = @transform_2, window_bounds = array<i64: 2000, 16>}, {transform_indices = @transform_3, window_bounds = array<i64: 2000, 16>}, {transform_indices = @transform_4, window_bounds = array<i64: 2000, 128>}, {transform_indices = @transform_5, window_bounds = array<i64: 2000, 1>}, {pipeline_mode = #tpu.pipeline_mode<synchronous>, transform_indices = @transform_6, window_bounds = array<i64: 128, 128>}, {pipeline_mode = #tpu.pipeline_mode<synchronous>, transform_indices = @transform_7, window_bounds = array<i64: 1, 128>}, {pipeline_mode = #tpu.pipeline_mode<synchronous>, transform_indices = @transform_8, window_bounds = array<i64: 128, 128>}, {pipeline_mode = #tpu.pipeline_mode<synchronous>, transform_indices = @transform_9, window_bounds = array<i64: 64, 128>}, {pipeline_mode = #tpu.pipeline_mode<synchronous>, transform_indices = @transform_10, window_bounds = array<i64: 1, 64>}, {pipeline_mode = #tpu.pipeline_mode<synchronous>, transform_indices = @transform_11, window_bounds = array<i64: 64, 64>}, {pipeline_mode = #tpu.pipeline_mode<synchronous>, transform_indices = @transform_12, window_bounds = array<i64: 64, 10>}, {pipeline_mode = #tpu.pipeline_mode<synchronous>, transform_indices = @transform_13, window_bounds = array<i64: 10, 160>}, {pipeline_mode = #tpu.pipeline_mode<synchronous>, transform_indices = @transform_14, window_bounds = array<i64: 16, 160>}, {pipeline_mode = #tpu.pipeline_mode<synchronous>, transform_indices = @transform_15, window_bounds = array<i64: 128, 128>}, {pipeline_mode = #tpu.pipeline_mode<synchronous>, transform_indices = @transform_16, window_bounds = array<i64: 1, 128>}, {pipeline_mode = #tpu.pipeline_mode<synchronous>, transform_indices = @transform_17, window_bounds = array<i64: 10, 128>}, {pipeline_mode = #tpu.pipeline_mode<synchronous>, transform_indices = @transform_18, window_bounds = array<i64: 1, 10>}, {pipeline_mode = #tpu.pipeline_mode<synchronous>, transform_indices = @transform_19, window_bounds = array<i64: 16, 10>}]} {
    %eq3A = arith.constant 0 : i32
    %eq3A_0 = arith.cmpi eq, %arg0, %eq3A : i32
    %convert_element_type3A = arith.extui %eq3A_0 : i1 to i32
    %cond3A = arith.constant 0 : i32
    %cond3A_1 = arith.cmpi ne, %convert_element_type3A, %cond3A : i32
    scf.if %cond3A_1 {
      %broadcast_in_dim3A_124 = arith.constant 0.000000e+00 : f32
      %broadcast_in_dim3A_125 = vector.broadcast %broadcast_in_dim3A_124 : f32 to vector<160x128xf32>
      %swap3A_126 = arith.constant 0 : index
      %swap3A_127 = arith.constant 0 : index
      %swap3A_128 = vector.load %arg21[%swap3A_126, %swap3A_127] : memref<160x128xf32, #tpu.memory_space<vmem>>, vector<160x128xf32>
      tpu.vector_store %arg21[%swap3A_126, %swap3A_127], %broadcast_in_dim3A_125 {strides = array<i32>} : memref<160x128xf32, #tpu.memory_space<vmem>>, vector<160x128xf32>,
    } else {
    }
    %get3A = arith.constant 0 : index
    %get3A_2 = arith.constant 0 : index
    %get3A_3 = vector.load %arg3[%get3A, %get3A_2] : memref<2000x16xf32, #tpu.memory_space<vmem>>, vector<2000x16xf32>
    %get3A_4 = arith.constant 0 : index
    %get3A_5 = arith.constant 0 : index
    %get3A_6 = vector.load %arg4[%get3A_4, %get3A_5] : memref<2000x16xf32, #tpu.memory_space<vmem>>, vector<2000x16xf32>
    %add3A = arith.addf %get3A_3, %get3A_6 : vector<2000x16xf32>
    %reduce_max3A = arith.constant dense<0xFF800000> : vector<2000xf32>
    %reduce_max3A_7 = vector.multi_reduction <maximumf>, %add3A, %reduce_max3A [1] : vector<2000x16xf32> to vector<2000xf32>
    %broadcast_in_dim3A = vector.shape_cast %reduce_max3A_7 : vector<2000xf32> to vector<2000x1xf32>
    %max3A = arith.constant 1.000000e+00 : f32
    %max3A_8 = vector.broadcast %max3A : f32 to vector<2000x1xf32>
    %max3A_9 = arith.maximumf %broadcast_in_dim3A, %max3A_8 : vector<2000x1xf32>
    %get3A_10 = arith.constant 0 : index
    %get3A_11 = arith.constant 0 : index
    %get3A_12 = vector.load %arg1[%get3A_10, %get3A_11] : memref<2000x128xf32, #tpu.memory_space<vmem>>, vector<2000x128xf32>
    %get3A_13 = arith.constant 0 : index
    %get3A_14 = arith.constant 0 : index
    %get3A_15 = vector.load %arg2[%get3A_13, %get3A_14] : memref<2000x128xf32, #tpu.memory_space<vmem>>, vector<2000x128xf32>
    %add3A_16 = arith.addf %get3A_12, %get3A_15 : vector<2000x128xf32>
    %div3A = vector.broadcast %max3A_9 : vector<2000x1xf32> to vector<2000x128xf32>
    %div3A_17 = arith.divf %add3A_16, %div3A : vector<2000x128xf32>
    %get3A_18 = arith.constant 0 : index
    %get3A_19 = arith.constant 0 : index
    %get3A_20 = vector.load %arg7[%get3A_18, %get3A_19] : memref<128x128xf32, #tpu.memory_space<vmem>>, vector<128x128xf32>
    %dot_general3A = arith.constant dense<0.000000e+00> : vector<2000x128xf32>
    %dot_general3A_21 = tpu.matmul %div3A_17, %get3A_20, %dot_general3A {dimension_numbers = #tpu.dot_dimension_numbers<[1], [1], [0], [0], [0, 0, 1, 0], [], []>, precision = #tpu.contract_precision<fp32>, transpose_lhs_hint = false} : vector<2000x128xf32>, vector<128x128xf32>, vector<2000x128xf32> -> vector<2000x128xf32>
    %get3A_22 = arith.constant 0 : index
    %get3A_23 = arith.constant 0 : index
    %get3A_24 = vector.load %arg8[%get3A_22, %get3A_23] : memref<1x128xf32, #tpu.memory_space<vmem>>, vector<1x128xf32>
    %add3A_25 = vector.broadcast %get3A_24 : vector<1x128xf32> to vector<2000x128xf32>
    %add3A_26 = arith.addf %dot_general3A_21, %add3A_25 : vector<2000x128xf32>
    %get3A_27 = arith.constant 0 : index
    %get3A_28 = arith.constant 0 : index
    %get3A_29 = vector.load %arg5[%get3A_27, %get3A_28] : memref<2000x128xf32, #tpu.memory_space<vmem>>, vector<2000x128xf32>
    %get3A_30 = arith.constant 0 : index
    %get3A_31 = arith.constant 0 : index
    %get3A_32 = vector.load %arg9[%get3A_30, %get3A_31] : memref<128x128xf32, #tpu.memory_space<vmem>>, vector<128x128xf32>
    %dot_general3A_33 = arith.constant dense<0.000000e+00> : vector<2000x128xf32>
    %dot_general3A_34 = tpu.matmul %get3A_29, %get3A_32, %dot_general3A_33 {dimension_numbers = #tpu.dot_dimension_numbers<[1], [1], [0], [0], [0, 0, 1, 0], [], []>, precision = #tpu.contract_precision<fp32>, transpose_lhs_hint = false} : vector<2000x128xf32>, vector<128x128xf32>, vector<2000x128xf32> -> vector<2000x128xf32>
    %add3A_35 = arith.addf %add3A_26, %dot_general3A_34 : vector<2000x128xf32>
    %ge3A = arith.constant 0.000000e+00 : f32
    %ge3A_36 = vector.broadcast %ge3A : f32 to vector<2000x128xf32>
    %ge3A_37 = arith.cmpf oge, %add3A_35, %ge3A_36 : vector<2000x128xf32>
    %mul3A = arith.constant 0.00999999977 : f32
    %mul3A_38 = vector.broadcast %mul3A : f32 to vector<2000x128xf32>
    %mul3A_39 = arith.mulf %mul3A_38, %add3A_35 : vector<2000x128xf32>
    %select_n3A = arith.select %ge3A_37, %add3A_35, %mul3A_39 : vector<2000x128xi1>, vector<2000x128xf32>
    %get3A_40 = arith.constant 0 : index
    %get3A_41 = arith.constant 0 : index
    %get3A_42 = vector.load %arg10[%get3A_40, %get3A_41] : memref<64x128xf32, #tpu.memory_space<vmem>>, vector<64x128xf32>
    %dot_general3A_43 = arith.constant dense<0.000000e+00> : vector<2000x64xf32>
    %dot_general3A_44 = tpu.matmul %select_n3A, %get3A_42, %dot_general3A_43 {dimension_numbers = #tpu.dot_dimension_numbers<[1], [1], [0], [0], [0, 0, 1, 0], [], []>, precision = #tpu.contract_precision<fp32>, transpose_lhs_hint = false} : vector<2000x128xf32>, vector<64x128xf32>, vector<2000x64xf32> -> vector<2000x64xf32>
    %mul3A_45 = arith.mulf %select_n3A, %select_n3A : vector<2000x128xf32>
    %reduce_sum3A = arith.constant dense<0.000000e+00> : vector<2000xf32>
    %reduce_sum3A_46 = vector.multi_reduction <add>, %mul3A_45, %reduce_sum3A [1] : vector<2000x128xf32> to vector<2000xf32>
    %broadcast_in_dim3A_47 = vector.shape_cast %reduce_sum3A_46 : vector<2000xf32> to vector<2000x1xf32>
    %mul3A_48 = arith.mulf %get3A_42, %get3A_42 : vector<64x128xf32>
    %reduce_sum3A_49 = arith.constant dense<0.000000e+00> : vector<64xf32>
    %reduce_sum3A_50 = vector.multi_reduction <add>, %mul3A_48, %reduce_sum3A_49 [1] : vector<64x128xf32> to vector<64xf32>
    %broadcast_in_dim3A_51 = vector.shape_cast %reduce_sum3A_50 : vector<64xf32> to vector<1x64xf32>
    %add3A_52 = vector.broadcast %broadcast_in_dim3A_47 : vector<2000x1xf32> to vector<2000x64xf32>
    %add3A_53 = vector.broadcast %broadcast_in_dim3A_51 : vector<1x64xf32> to vector<2000x64xf32>
    %add3A_54 = arith.addf %add3A_52, %add3A_53 : vector<2000x64xf32>
    %mul3A_55 = arith.constant 2.000000e+00 : f32
    %mul3A_56 = vector.broadcast %mul3A_55 : f32 to vector<2000x64xf32>
    %mul3A_57 = arith.mulf %mul3A_56, %dot_general3A_44 : vector<2000x64xf32>
    %sub3A = arith.subf %add3A_54, %mul3A_57 : vector<2000x64xf32>
    %max3A_58 = arith.constant 0.000000e+00 : f32
    %max3A_59 = vector.broadcast %max3A_58 : f32 to vector<2000x64xf32>
    %max3A_60 = arith.maximumf %sub3A, %max3A_59 : vector<2000x64xf32>
    %add3A_61 = arith.constant 1.000000e+00 : f32
    %add3A_62 = vector.broadcast %add3A_61 : f32 to vector<2000x64xf32>
    %add3A_63 = arith.addf %add3A_62, %max3A_60 : vector<2000x64xf32>
    %div3A_64 = arith.constant 1.000000e+00 : f32
    %div3A_65 = vector.broadcast %div3A_64 : f32 to vector<2000x64xf32>
    %div3A_66 = arith.divf %div3A_65, %add3A_63 : vector<2000x64xf32>
    %get3A_67 = arith.constant 0 : index
    %get3A_68 = arith.constant 0 : index
    %get3A_69 = vector.load %arg12[%get3A_67, %get3A_68] : memref<64x64xf32, #tpu.memory_space<vmem>>, vector<64x64xf32>
    %dot_general3A_70 = arith.constant dense<0.000000e+00> : vector<2000x64xf32>
    %dot_general3A_71 = tpu.matmul %div3A_66, %get3A_69, %dot_general3A_70 {dimension_numbers = #tpu.dot_dimension_numbers<[1], [0], [0], [1], [0, 0, 1, 1], [], []>, precision = #tpu.contract_precision<fp32>, transpose_lhs_hint = false} : vector<2000x64xf32>, vector<64x64xf32>, vector<2000x64xf32> -> vector<2000x64xf32>
    %div3A_72 = arith.divf %div3A_66, %dot_general3A_71 : vector<2000x64xf32>
    %get3A_73 = arith.constant 0 : index
    %get3A_74 = arith.constant 0 : index
    %get3A_75 = vector.load %arg11[%get3A_73, %get3A_74] : memref<1x64xf32, #tpu.memory_space<vmem>>, vector<1x64xf32>
    %mul3A_76 = vector.broadcast %get3A_75 : vector<1x64xf32> to vector<2000x64xf32>
    %mul3A_77 = arith.mulf %div3A_72, %mul3A_76 : vector<2000x64xf32>
    %get3A_78 = arith.constant 0 : index
    %get3A_79 = arith.constant 0 : index
    %get3A_80 = vector.load %arg13[%get3A_78, %get3A_79] : memref<64x10xf32, #tpu.memory_space<vmem>>, vector<64x10xf32>
    %dot_general3A_81 = arith.constant dense<0.000000e+00> : vector<2000x10xf32>
    %dot_general3A_82 = tpu.matmul %mul3A_77, %get3A_80, %dot_general3A_81 {dimension_numbers = #tpu.dot_dimension_numbers<[1], [0], [0], [1], [0, 0, 1, 1], [], []>, precision = #tpu.contract_precision<fp32>, transpose_lhs_hint = false} : vector<2000x64xf32>, vector<64x10xf32>, vector<2000x10xf32> -> vector<2000x10xf32>
    %reduce_max3A_83 = arith.constant dense<0xFF800000> : vector<2000xf32>
    %reduce_max3A_84 = vector.multi_reduction <maximumf>, %dot_general3A_82, %reduce_max3A_83 [1] : vector<2000x10xf32> to vector<2000xf32>
    %broadcast_in_dim3A_85 = vector.shape_cast %reduce_max3A_84 : vector<2000xf32> to vector<2000x1xf32>
    %sub3A_86 = vector.broadcast %broadcast_in_dim3A_85 : vector<2000x1xf32> to vector<2000x10xf32>
    %sub3A_87 = arith.subf %dot_general3A_82, %sub3A_86 : vector<2000x10xf32>
    %exp3A = math.exp %sub3A_87 : vector<2000x10xf32>
    %reduce_sum3A_88 = arith.constant dense<0.000000e+00> : vector<2000xf32>
    %reduce_sum3A_89 = vector.multi_reduction <add>, %exp3A, %reduce_sum3A_88 [1] : vector<2000x10xf32> to vector<2000xf32>
    %broadcast_in_dim3A_90 = vector.shape_cast %reduce_sum3A_89 : vector<2000xf32> to vector<2000x1xf32>
    %div3A_91 = vector.broadcast %broadcast_in_dim3A_90 : vector<2000x1xf32> to vector<2000x10xf32>
    %div3A_92 = arith.divf %exp3A, %div3A_91 : vector<2000x10xf32>
    %get3A_93 = arith.constant 0 : index
    %get3A_94 = arith.constant 0 : index
    %get3A_95 = vector.load %arg6[%get3A_93, %get3A_94] : memref<2000x1xi32, #tpu.memory_space<vmem>>, vector<2000x1xi32>
    %iota3A = tpu.iota {dimensions = array<i32: 1>} : vector<2000x16xi32>
    %eq3A_96 = vector.broadcast %get3A_95 : vector<2000x1xi32> to vector<2000x16xi32>
    %eq3A_97 = arith.cmpi eq, %eq3A_96, %iota3A : vector<2000x16xi32>
    %convert_element_type3A_98 = arith.extui %eq3A_97 : vector<2000x16xi1> to vector<2000x16xi32>
    %convert_element_type3A_99 = arith.sitofp %convert_element_type3A_98 : vector<2000x16xi32> to vector<2000x16xf32>
    %get3A_100 = arith.constant 0 : index
    %get3A_101 = arith.constant 0 : index
    %get3A_102 = vector.load %arg15[%get3A_100, %get3A_101] : memref<16x160xf32, #tpu.memory_space<vmem>>, vector<16x160xf32>
    %dot_general3A_103 = arith.constant dense<0.000000e+00> : vector<2000x160xf32>
    %dot_general3A_104 = tpu.matmul %convert_element_type3A_99, %get3A_102, %dot_general3A_103 {dimension_numbers = #tpu.dot_dimension_numbers<[1], [0], [0], [1], [0, 0, 1, 1], [], []>, precision = #tpu.contract_precision<fp32>, transpose_lhs_hint = false} : vector<2000x16xf32>, vector<16x160xf32>, vector<2000x160xf32> -> vector<2000x160xf32>
    %get3A_105 = arith.constant 0 : index
    %get3A_106 = arith.constant 0 : index
    %get3A_107 = vector.load %arg14[%get3A_105, %get3A_106] : memref<10x160xf32, #tpu.memory_space<vmem>>, vector<10x160xf32>
    %dot_general3A_108 = arith.constant dense<0.000000e+00> : vector<2000x160xf32>
    %dot_general3A_109 = tpu.matmul %div3A_92, %get3A_107, %dot_general3A_108 {dimension_numbers = #tpu.dot_dimension_numbers<[1], [0], [0], [1], [0, 0, 1, 1], [], []>, precision = #tpu.contract_precision<fp32>, transpose_lhs_hint = false} : vector<2000x10xf32>, vector<10x160xf32>, vector<2000x160xf32> -> vector<2000x160xf32>
    %mul3A_110 = arith.mulf %dot_general3A_104, %dot_general3A_109 : vector<2000x160xf32>
    %get3A_111 = arith.constant 0 : index
    %get3A_112 = arith.constant 0 : index
    %get3A_113 = vector.load %arg21[%get3A_111, %get3A_112] : memref<160x128xf32, #tpu.memory_space<vmem>>, vector<160x128xf32>
    %dot_general3A_114 = arith.constant dense<0.000000e+00> : vector<160x128xf32>
    %dot_general3A_115 = tpu.matmul %mul3A_110, %select_n3A, %dot_general3A_114 {dimension_numbers = #tpu.dot_dimension_numbers<[0], [0], [1], [1], [0, 1, 1, 1], [], []>, precision = #tpu.contract_precision<fp32>, transpose_lhs_hint = false} : vector<2000x160xf32>, vector<2000x128xf32>, vector<160x128xf32> -> vector<160x128xf32>
    %add3A_116 = arith.addf %get3A_113, %dot_general3A_115 : vector<160x128xf32>
    %swap3A = arith.constant 0 : index
    %swap3A_117 = arith.constant 0 : index
    %swap3A_118 = vector.load %arg21[%swap3A, %swap3A_117] : memref<160x128xf32, #tpu.memory_space<vmem>>, vector<160x128xf32>
    tpu.vector_store %arg21[%swap3A, %swap3A_117], %add3A_116 {strides = array<i32>} : memref<160x128xf32, #tpu.memory_space<vmem>>, vector<160x128xf32>,
    %eq3A_119 = arith.constant 4 : i32
    %eq3A_120 = arith.cmpi eq, %arg0, %eq3A_119 : i32
    %convert_element_type3A_121 = arith.extui %eq3A_120 : i1 to i32
    %cond3A_122 = arith.constant 0 : i32
    %cond3A_123 = arith.cmpi ne, %convert_element_type3A_121, %cond3A_122 : i32
    scf.if %cond3A_123 {
      %get3A_124 = arith.constant 0 : index
      %get3A_125 = arith.constant 0 : index
      %get3A_126 = vector.load %arg21[%get3A_124, %get3A_125] : memref<160x128xf32, #tpu.memory_space<vmem>>, vector<160x128xf32>
      %get3A_127 = arith.constant 0 : index
      %get3A_128 = arith.constant 0 : index
      %get3A_129 = vector.load %arg16[%get3A_127, %get3A_128] : memref<128x128xf32, #tpu.memory_space<vmem>>, vector<128x128xf32>
      %dot_general3A_130 = arith.constant dense<0.000000e+00> : vector<160x128xf32>
      %dot_general3A_131 = tpu.matmul %get3A_126, %get3A_129, %dot_general3A_130 {dimension_numbers = #tpu.dot_dimension_numbers<[1], [1], [0], [0], [0, 0, 1, 0], [], []>, precision = #tpu.contract_precision<fp32>, transpose_lhs_hint = false} : vector<160x128xf32>, vector<128x128xf32>, vector<160x128xf32> -> vector<160x128xf32>
      %get3A_132 = arith.constant 0 : index
      %get3A_133 = arith.constant 0 : index
      %get3A_134 = vector.load %arg17[%get3A_132, %get3A_133] : memref<1x128xf32, #tpu.memory_space<vmem>>, vector<1x128xf32>
      %add3A_135 = vector.broadcast %get3A_134 : vector<1x128xf32> to vector<160x128xf32>
      %add3A_136 = arith.addf %dot_general3A_131, %add3A_135 : vector<160x128xf32>
      %ge3A_137 = arith.constant 0.000000e+00 : f32
      %ge3A_138 = vector.broadcast %ge3A_137 : f32 to vector<160x128xf32>
      %ge3A_139 = arith.cmpf oge, %add3A_136, %ge3A_138 : vector<160x128xf32>
      %mul3A_140 = arith.constant 0.00999999977 : f32
      %mul3A_141 = vector.broadcast %mul3A_140 : f32 to vector<160x128xf32>
      %mul3A_142 = arith.mulf %mul3A_141, %add3A_136 : vector<160x128xf32>
      %select_n3A_143 = arith.select %ge3A_139, %add3A_136, %mul3A_142 : vector<160x128xi1>, vector<160x128xf32>
      %get3A_144 = arith.constant 0 : index
      %get3A_145 = arith.constant 0 : index
      %get3A_146 = vector.load %arg15[%get3A_144, %get3A_145] : memref<16x160xf32, #tpu.memory_space<vmem>>, vector<16x160xf32>
      %dot_general3A_147 = arith.constant dense<0.000000e+00> : vector<16x128xf32>
      %dot_general3A_148 = tpu.matmul %get3A_146, %select_n3A_143, %dot_general3A_147 {dimension_numbers = #tpu.dot_dimension_numbers<[1], [0], [0], [1], [0, 0, 1, 1], [], []>, precision = #tpu.contract_precision<fp32>, transpose_lhs_hint = false} : vector<16x160xf32>, vector<160x128xf32>, vector<16x128xf32> -> vector<16x128xf32>
      %get3A_149 = arith.constant 0 : index
      %get3A_150 = arith.constant 0 : index
      %get3A_151 = vector.load %arg18[%get3A_149, %get3A_150] : memref<10x128xf32, #tpu.memory_space<vmem>>, vector<10x128xf32>
      %dot_general3A_152 = arith.constant dense<0.000000e+00> : vector<16x10xf32>
      %dot_general3A_153 = tpu.matmul %dot_general3A_148, %get3A_151, %dot_general3A_152 {dimension_numbers = #tpu.dot_dimension_numbers<[1], [1], [0], [0], [0, 0, 1, 0], [], []>, precision = #tpu.contract_precision<fp32>, transpose_lhs_hint = false} : vector<16x128xf32>, vector<10x128xf32>, vector<16x10xf32> -> vector<16x10xf32>
      %get3A_154 = arith.constant 0 : index
      %get3A_155 = arith.constant 0 : index
      %get3A_156 = vector.load %arg19[%get3A_154, %get3A_155] : memref<1x10xf32, #tpu.memory_space<vmem>>, vector<1x10xf32>
      %add3A_157 = vector.broadcast %get3A_156 : vector<1x10xf32> to vector<16x10xf32>
      %add3A_158 = arith.addf %dot_general3A_153, %add3A_157 : vector<16x10xf32>
      %swap3A_159 = arith.constant 0 : index
      %swap3A_160 = arith.constant 0 : index
      %swap3A_161 = vector.load %arg20[%swap3A_159, %swap3A_160] : memref<16x10xf32, #tpu.memory_space<vmem>>, vector<16x10xf32>
      tpu.vector_store %arg20[%swap3A_159, %swap3A_160], %add3A_158 {strides = array<i32>} : memref<16x10xf32, #tpu.memory_space<vmem>>, vector<16x10xf32>,
    } else {
    }
    return
  }
  func.func @transform_0(%arg0: i32) -> (i32, i32) {
    %c0_i32 = arith.constant 0 : i32
    %c0_i32_0 = arith.constant 0 : i32
    return %arg0, %c0_i32 : i32, i32
  }
  func.func @transform_1(%arg0: i32) -> (i32, i32) {
    %c0_i32 = arith.constant 0 : i32
    %c0_i32_0 = arith.constant 0 : i32
    return %arg0, %c0_i32 : i32, i32
  }
  func.func @transform_2(%arg0: i32) -> (i32, i32) {
    %c0_i32 = arith.constant 0 : i32
    %c0_i32_0 = arith.constant 0 : i32
    return %arg0, %c0_i32 : i32, i32
  }
  func.func @transform_3(%arg0: i32) -> (i32, i32) {
    %c0_i32 = arith.constant 0 : i32
    %c0_i32_0 = arith.constant 0 : i32
    return %arg0, %c0_i32 : i32, i32
  }
  func.func @transform_4(%arg0: i32) -> (i32, i32) {
    %c0_i32 = arith.constant 0 : i32
    %c0_i32_0 = arith.constant 0 : i32
    return %arg0, %c0_i32 : i32, i32
  }
  func.func @transform_5(%arg0: i32) -> (i32, i32) {
    %c0_i32 = arith.constant 0 : i32
    %c0_i32_0 = arith.constant 0 : i32
    return %arg0, %c0_i32 : i32, i32
  }
  func.func @transform_6(%arg0: i32) -> (i32, i32) {
    %c0_i32 = arith.constant 0 : i32
    %c0_i32_0 = arith.constant 0 : i32
    %c0_i32_1 = arith.constant 0 : i32
    return %c0_i32, %c0_i32_0 : i32, i32
  }
  func.func @transform_7(%arg0: i32) -> (i32, i32) {
    %c0_i32 = arith.constant 0 : i32
    %c0_i32_0 = arith.constant 0 : i32
    %c0_i32_1 = arith.constant 0 : i32
    return %c0_i32, %c0_i32_0 : i32, i32
  }
  func.func @transform_8(%arg0: i32) -> (i32, i32) {
    %c0_i32 = arith.constant 0 : i32
    %c0_i32_0 = arith.constant 0 : i32
    %c0_i32_1 = arith.constant 0 : i32
    return %c0_i32, %c0_i32_0 : i32, i32
  }
  func.func @transform_9(%arg0: i32) -> (i32, i32) {
    %c0_i32 = arith.constant 0 : i32
    %c0_i32_0 = arith.constant 0 : i32
    %c0_i32_1 = arith.constant 0 : i32
    return %c0_i32, %c0_i32_0 : i32, i32
  }
  func.func @transform_10(%arg0: i32) -> (i32, i32) {
    %c0_i32 = arith.constant 0 : i32
    %c0_i32_0 = arith.constant 0 : i32
    %c0_i32_1 = arith.constant 0 : i32
    return %c0_i32, %c0_i32_0 : i32, i32
  }
  func.func @transform_11(%arg0: i32) -> (i32, i32) {
    %c0_i32 = arith.constant 0 : i32
    %c0_i32_0 = arith.constant 0 : i32
    %c0_i32_1 = arith.constant 0 : i32
    return %c0_i32, %c0_i32_0 : i32, i32
  }
  func.func @transform_12(%arg0: i32) -> (i32, i32) {
    %c0_i32 = arith.constant 0 : i32
    %c0_i32_0 = arith.constant 0 : i32
    %c0_i32_1 = arith.constant 0 : i32
    return %c0_i32, %c0_i32_0 : i32, i32
  }
  func.func @transform_13(%arg0: i32) -> (i32, i32) {
    %c0_i32 = arith.constant 0 : i32
    %c0_i32_0 = arith.constant 0 : i32
    %c0_i32_1 = arith.constant 0 : i32
    return %c0_i32, %c0_i32_0 : i32, i32
  }
  func.func @transform_14(%arg0: i32) -> (i32, i32) {
    %c0_i32 = arith.constant 0 : i32
    %c0_i32_0 = arith.constant 0 : i32
    %c0_i32_1 = arith.constant 0 : i32
    return %c0_i32, %c0_i32_0 : i32, i32
  }
  func.func @transform_15(%arg0: i32) -> (i32, i32) {
    %c0_i32 = arith.constant 0 : i32
    %c0_i32_0 = arith.constant 0 : i32
    %c0_i32_1 = arith.constant 0 : i32
    return %c0_i32, %c0_i32_0 : i32, i32
  }
  func.func @transform_16(%arg0: i32) -> (i32, i32) {
    %c0_i32 = arith.constant 0 : i32
    %c0_i32_0 = arith.constant 0 : i32
    %c0_i32_1 = arith.constant 0 : i32
    return %c0_i32, %c0_i32_0 : i32, i32
  }
  func.func @transform_17(%arg0: i32) -> (i32, i32) {
    %c0_i32 = arith.constant 0 : i32
    %c0_i32_0 = arith.constant 0 : i32
    %c0_i32_1 = arith.constant 0 : i32
    return %c0_i32, %c0_i32_0 : i32, i32
  }
  func.func @transform_18(%arg0: i32) -> (i32, i32) {
    %c0_i32 = arith.constant 0 : i32
    %c0_i32_0 = arith.constant 0 : i32
    %c0_i32_1 = arith.constant 0 : i32
    return %c0_i32, %c0_i32_0 : i32, i32
  }
  func.func @transform_19(%arg0: i32) -> (i32, i32) {
    %c0_i32 = arith.constant 0 : i32
    %c0_i32_0 = arith.constant 0 : i32
    %c0_i32_1 = arith.constant 0 : i32
    return %c0_i32, %c0_i32_0 : i32, i32
  }
}

</mosaic_0001>

<sc_bundles>
// kernel: kernel.10.cloned.1.call-start
scs
__scs_entry_jumppad:
0x0: {  	(pc) =	sbr.rel $0x88, $3  }
0x1: {  	(tag) =	ssettag $0x0;
	lr =	simm.s32 $0x1  }
0x2: {  	[smem:$0x3F92] =	sst lr;
	_ =	strace $0xD0000000  }
0x3: {  	_ = 	snop  }
0x4: {  	_ = 	snop  }
0x5: {  	_ = 	snop  }
0x6: {  	_ = 	snop  }
0x7: {  	_ = 	snop  }
__scs_overlays_trampoline_lowered:
0x8: {  	[smem:$0x3FA1] =	sst s0  }
0x9: {  	[smem:$0x3FA2] =	sst s1  }
0xa: {  	[smem:$0x3FA3] =	sst s2  }
0xb: {  	[smem:$0x3FA4] =	sst s3  }
0xc: {  	[smem:$0x3FA5] =	sst s4  }
0xd: {  	[smem:$0x3FA6] =	sst s5  }
0xe: {  	[smem:$0x3FA7] =	sst s6  }
0xf: {  	[smem:$0x3FA8] =	sst s7  }
0x10: {  	[smem:$0x3FA9] =	sst s8  }
0x11: {  	[smem:$0x3FAA] =	sst s9;
	s0 =	simm.s32 @!p0 $0x0  }
0x12: {  	s1 =	sld [smem:$0x3F90];
	s0 =	simm.s32 @p0 $0x1  }
0x13: {  	[smem:$0x3FAB] =	sst s0;
	s0 =	simm.s32 @!p1 $0x0  }
0x14: {  	s2 =	sld [smem:$0x3F8F];
	s0 =	simm.s32 @p1 $0x1  }
0x15: {  	[smem:$0x3FAC] =	sst s0;
	s0 =	simm.s32 @!p2 $0x0  }
0x16: {  	s3 =	sld [smem:$0x3FDB];
	s0 =	simm.s32 @p2 $0x1  }
0x17: {  	s4 =	simm.s32 $0x1BF5;
	[smem:$0x3FAE] =	sst s0  }
0x18: {  	s0 =	sld [smem:$0x3F91];
	_ =	swait.ge [sflag:s4], $0x0  }
0x19: {  	s7 =	sld [smem:$0x3F92]  }
0x1a: {  	s8 =	sadd.s32 $0xFFFFE003, lr  }
0x1b: {  	s9 =	sadd.s32 $0xFFFFFEF7, lr;
	s5 =	simm.s32 $0xFFFFFFFF;
	p2 =	slt.u32 s8, $0xFFFFF086  }
0x1c: {  	p1 =	slt.u32 s9, $0xF7A;
	s5 =	simm.s32 @!p2 $0x0  }
0x1d: {  	s5 =	simm.s32 @p1 $0x1;
	p0 =	seq.s32 s7, s2  }
0x1e: {  	s7 =	smul.u32 @!p0 $0xF7A, s2;
	p2 =	seq.s32 @!p0 s5, $0x0  }
0x1f: {  	s9 =	smul.u32 $0xF7A, s1;
	s8 =	simm.s32 @!p0 $0x1BF5;
	p2 =	por !p2, p0  }
0x20: {  	[sflag:s8] =	ssyncset.s32 @!p0 $0xFFFFF086;
	s6 =	sadd.s32 @!p0 s3, s7;
	s7 =	simm.s32 @!p0 $0x108  }
0x21: {  	s3 =	sadd.s32 s3, s9;
	s6 =	sadd.s32 @!p0 $0x88, s6;
	s7 =	simm.s32 @p2 $0x1082  }
0x22: {  	[simem:s7], [sflag:s8] =	dma.local @!p0 [hbm:s6], $0xF7A  }
0x23: {  	s9 =	sor.u32 $0xD0000000, s2;
	s6 =	simm.s32 $0x108;
	_ =	swait.ge @!p0 [sflag:s8], $0x0  }
0x24: {  	s3 =	sadd.s32 $0x88, s3;
	s6 =	simm.s32 @!p1 $0x1082;
	[sflag:s4] =	ssyncset.s32 $0xFFFFF086  }
0x25: {  	[simem:s6], [sflag:s4] =	dma.local [hbm:s3], $0xF7A  }
0x26: {  	[smem:$0x3F92] =	sst s1;
	(tag) =	ssettag s2;
	_ =	strace s9  }
0x27: {  	s1 =	sld [smem:$0x3FA2]  }
0x28: {  	s2 =	sld [smem:$0x3FA3]  }
0x29: {  	s4 =	sld [smem:$0x3FA5]  }
0x2a: {  	p0 =	seq.s32 s5, $0x0;
	s5 =	sld [smem:$0x3FA6]  }
0x2b: {  	s6 =	sld [smem:$0x3FA7]  }
0x2c: {  	s7 =	sld [smem:$0x3FA8]  }
0x2d: {  	s3 =	simm.s32 $0x108;
	s8 =	sld [smem:$0x3FA9]  }
0x2e: {  	s3 =	simm.s32 @!p0 $0x1082;
	s9 =	sld [smem:$0x3FAA]  }
0x2f: {  	lr =	sadd.s32 s0, s3;
	s0 =	sld [smem:$0x3FA1]  }
0x30: {  	s3 =	sld [smem:$0x3FA4]  }
0x31: {  	[smem:$0x3FAD] =	sst s10  }
0x32: {  	s10 =	sld [smem:$0x3FAB];
	_ =	sdelay $0x3  }
0x33: {  	p0 =	seq.s32 s10, $0x1;
	s10 =	sld [smem:$0x3FAD];
	_ =	sdelay $0x3  }
0x34: {  	[smem:$0x3FAD] =	sst s10  }
0x35: {  	s10 =	sld [smem:$0x3FAC];
	_ =	sdelay $0x3  }
0x36: {  	p1 =	seq.s32 s10, $0x1;
	s10 =	sld [smem:$0x3FAD];
	_ =	sdelay $0x3  }
0x37: {  	[smem:$0x3FAD] =	sst s10  }
0x38: {  	s10 =	sld [smem:$0x3FAE]  }
0x39: {  	_ = 	snop;
	(pc) =	sbr.ind lr, $3  }
0x3a: {  	_ = 	snop  }
0x3b: {  	_ = 	snop  }
0x3c: {  	p2 =	seq.s32 s10, $0x1;
	s10 =	sld [smem:$0x3FAD]  }
0x3d: {  	_ =	shalt  }
0x3e: {  	_ =	shalt  }
0x3f: {  	_ =	shalt  }
0x40: {  	_ =	shalt  }
0x41: {  	_ =	shalt  }
0x42: {  	_ =	shalt  }
0x43: {  	_ =	shalt  }
0x44: {  	_ =	shalt  }
0x45: {  	_ =	shalt  }
0x46: {  	_ =	shalt  }
0x47: {  	_ =	shalt  }
0x48: {  	_ =	shalt  }
0x49: {  	_ =	shalt  }
0x4a: {  	_ =	shalt  }
0x4b: {  	_ =	shalt  }
0x4c: {  	_ =	shalt  }
0x4d: {  	_ =	shalt  }
0x4e: {  	_ =	shalt  }
0x4f: {  	_ =	shalt  }
0x50: {  	_ =	shalt  }
0x51: {  	_ =	shalt  }
0x52: {  	_ =	shalt  }
0x53: {  	_ =	shalt  }
0x54: {  	_ =	shalt  }
0x55: {  	_ =	shalt  }
0x56: {  	_ =	shalt  }
0x57: {  	_ =	shalt  }
0x58: {  	_ =	shalt  }
0x59: {  	_ =	shalt  }
0x5a: {  	_ =	shalt  }
0x5b: {  	_ =	shalt  }
0x5c: {  	_ =	shalt  }
0x5d: {  	_ =	shalt  }
0x5e: {  	_ =	shalt  }
0x5f: {  	_ =	shalt  }
0x60: {  	_ =	shalt  }
0x61: {  	_ =	shalt  }
0x62: {  	_ =	shalt  }
0x63: {  	_ =	shalt  }
0x64: {  	_ =	shalt  }
0x65: {  	_ =	shalt  }
0x66: {  	_ =	shalt  }
0x67: {  	_ =	shalt  }
0x68: {  	_ =	shalt  }
0x69: {  	_ =	shalt  }
0x6a: {  	_ =	shalt  }
0x6b: {  	_ =	shalt  }
0x6c: {  	_ =	shalt  }
0x6d: {  	_ =	shalt  }
0x6e: {  	_ =	shalt  }
0x6f: {  	_ =	shalt  }
0x70: {  	_ =	shalt  }
0x71: {  	_ =	shalt  }
0x72: {  	_ =	shalt  }
0x73: {  	_ =	shalt  }
0x74: {  	_ =	shalt  }
0x75: {  	_ =	shalt  }
0x76: {  	_ =	shalt  }
0x77: {  	_ =	shalt  }
0x78: {  	_ =	shalt  }
0x79: {  	_ =	shalt  }
0x7a: {  	_ =	shalt  }
0x7b: {  	_ =	shalt  }
0x7c: {  	_ =	shalt  }
0x7d: {  	_ =	shalt  }
0x7e: {  	_ =	shalt  }
0x7f: {  	_ =	shalt  }
0x80: {  	_ =	shalt  }
0x81: {  	_ =	shalt  }
0x82: {  	_ =	shalt  }
0x83: {  	_ =	shalt  }
0x84: {  	_ =	shalt  }
0x85: {  	_ =	shalt  }
0x86: {  	_ =	shalt  }
0x87: {  	_ =	shalt  }
.Lfunc_end0:
.L_simem_size_0:
called_computation.1_lowered:
.L_overlay_start_0:
0x88: {  	s2 =	sld [smem:$0x3FD9]  }
0x89: {  	s3 =	sld [smem:$0x3FFE];
	_ =	sdelay $0x1  }
0x8a: {  	s1 =	srdreg.scid  }
0x8b: {  	s0 =	sand.u32 $0x1, s1  }
0x8c: {  	s17 =	sshll.u32 s0, $0xA;
	s2 =	sadd.s32 s3, s2  }
0x8d: {  	s2 =	sadd.s32 s2, s17  }
0x8e: {  	[smem:$0x3FB9] =	sst s2  }
0x8f: {  	_ = 	snop  }
0x90: {  	s2 =	sld [smem:$0x3FC9];
	(tm) =	ssettm $0x1  }
0x91: {  	s18 =	sld [smem:$0x3FFB];
	_ =	sdelay $0x3  }
0x92: {  	_ =	strace s18  }
0x93: {  	s3 =	sld [smem:$0x3FFC];
	_ =	sdelay $0x3  }
0x94: {  	_ =	strace s3  }
0x95: {  	s3 =	sld [smem:$0x3FFD];
	_ =	sdelay $0x3  }
0x96: {  	_ =	strace s3  }
0x97: {  	_ =	strace $0x8FFFFFFF  }
0x98: {  	s19 =	sld [smem:$0x3FDB];
	_ =	sdelay $0x1  }
0x99: {  	s4 =	simm.s32 $_scs_section_size  }
0x9a: {  	s5 =	simm.s32 $_size__tile_overlayer_lowered;
	s6 =	simm.s32 $_tile_overlayer_lowered  }
0x9b: {  	s22 =	simm.s32 $0x1BFF;
	s21 =	sshll.u32 s6, $0x1;
	s3 =	sadd.s32 s4, s19  }
0x9c: {  	s7 =	simm.s32 $0x0;
	s20 =	sshll.u32 s5, $0x1;
	s5 =	sadd.s32 s21, s3  }
0x9d: {  	[timem:s7], [sflag:s22] =	dma.local [hbm:s5], s20  }
0x9e: {  	_ =	swait.ge [sflag:s22], s20  }
0x9f: {  	s4 =	ssub.s32 $0x0, s20;
	[sflag:s22] =	ssyncset.done $0x0  }
0xa0: {  	[sflag:s22] =	ssyncadd.s32 s4;
	_ =	sdelay $0x1  }
0xa1: {  	s23 =	simm.s32 $0x1B8B  }
0xa2: {  	_ =	swait.ge [sflag:s23], $0x1  }
0xa3: {  	[sflag:s23] =	ssyncset.done $0x0  }
0xa4: {  	s25 =	simm.s32 $0x1B8E;
	s24 =	sld [smem:$0x3FFE];
	[sflag:s23] =	ssyncadd.s32 $0xFFFFFFFF  }
0xa5: {  	s26 =	simm.s32 $execute0_lowered;
	[smem:$0x3FD2] =	sst s25  }
0xa6: {  	s5 =	sshll.u32 s26, $0x1;
	_ =	strace $0x80000046;
	[dreg:$0x1] =	wrdreg $0xFFFFFFFF  }
0xa7: {  	s28 =	simm.s32 $_size_execute0_lowered;
	s3 =	sadd.s32 s3, s5;
	[dreg:$0x0] =	wrdreg $0x0  }
0xa8: {  	s5 =	sshll.u32 s28, $0x1;
	[dreg:$0x2] =	wrdreg s3  }
0xa9: {  	[dreg:$0x3] =	wrdreg s5  }
0xaa: {  	[dreg:$0x4] =	wrdreg $0xC0  }
0xab: {  	_ =	task [dreg:s7], $0x5FFFF  }
0xac: {  	[dreg:$0x1] =	wrdreg $0xFFFFFFFF  }
0xad: {  	[dreg:$0x0] =	wrdreg $0x60  }
0xae: {  	[dreg:$0x2] =	wrdreg s2  }
0xaf: {  	[dreg:$0x3] =	wrdreg s24  }
0xb0: {  	[dreg:$0x4] =	wrdreg $0x90000  }
0xb1: {  	[dreg:$0x5] =	wrdreg $0xA  }
0xb2: {  	_ =	task.clear_ibuf [dreg:s7], $0x6FFFF;
	_ =	strace $0x90000046  }
0xb3: {  	s29 =	simm.s32 $0xA;
	_ =	strace $0x80000048  }
0xb4: {  	_ =	swait.ge [sflag:s29], $0x1  }
0xb5: {  	[sflag:s29] =	ssyncadd.s32 $0xFFFFFFFF  }
0xb6: {  	_ =	strace $0x90000048  }
0xb7: {  	_ =	sfence  }
0xb8: {  	s30 =	sld [smem:$0x0];
	_ =	sdelay $0x2  }
0xb9: {  	s31 =	sshll.u32 s1, $0xD;
	s1 =	sshrl.u32 s1, $0x2  }
0xba: {  	s3 =	sand.u32 $0x4000, s31;
	s1 =	sadd.s32 s1, s30  }
0xbb: {  	s0 =	sor.u32 s3, s0;
	s1 =	sshll.u32 s1, $0x11  }
0xbc: {  	s0 =	sor.u32 s1, s0  }
0xbd: {  	s0 =	sadd.s32 $0x8F2B, s0  }
0xbe: {  	[sflag:s0] =	ssyncadd.remote.s32 $0x1  }
0xbf: {  	_ =	sfence.sel $0xFFFF  }
0xc0: {  	[dreg:$0x0] =	wrdreg $0xFFFFFFFF;
	(pc) =	sbr.abs _section_cstart, $3  }
0xc1: {  	[dreg:$0x1] =	wrdreg $0xFFFFFFFF  }
0xc2: {  	_ =	task.clear_ibuf [dreg:s7], $0x2FFFF;
	_ =	strace $0x9FFFFFFF  }
0xc3: {  	(tm) =	ssettm $0x7FFFFFFF  }
tec
execute0_lowered:
.L_overlay_start_1:
0x0: {  	(tag) =	ssettag $0x1  }
0x1: {  	s1 =	rddreg [dreg:$0x0]  }
0x2: {  	s0 =	srdreg.scid;
	s5 =	rddreg [dreg:$0x1]  }
0x3: {  	s3 =	rddreg [dreg:$0x2];
	s4 =	simm.s32 $0x0;
	s15 =	simm.s32 $0x7D  }
0x4: {  	s16 =	simm.s32 $0x5000;
	s17 =	simm.s32 $0x1;
	s22 =	simm.s32 $0x0  }
0x5: {  	s8 =	sand.u32 $0x1, s0;
	s0 =	stileid.u32;
	[smem:$0x7FF] =	sst s4  }
0x6: {  	s2 =	sshll.u32 s8, $0x4;
	s7 =	smul.u32 $0x2800, s0;
	s9 =	ssub.s32 $0x2, s8  }
0x7: {  	s10 =	smul.u32 $0x50000, s0;
	p3 =	seq.s32 s8, $0x1;
	s13 =	sshll.u32 s0, $0x6  }
0x8: {  	s2 =	sor.u32 s0, s2;
	s11 =	sshrl.u32 s9, $0x1;
	s13 =	sor.u32 $0x1C02, s13  }
0x9: {  	p1 =	seq.s32 @p3 s0, $0xF;
	p4 =	seq.s32 @!p3 s0, $0xF;
	s6 =	smul.u32 $0x500, s2  }
0xa: {  	s2 =	rddreg [dreg:$0x3];
	_ =	strace $0x80000047;
	s12 =	sadd.s32 s7, s5  }
0xb: {  	s11 =	ssub.s32 s9, s11;
	s31 =	sshrl.u32 s10, $0x2;
	p0 =	por !p1, !p3  }
0xc: {  	p1 =	por p1, !p3;
	p2 =	por !p4, p3;
	p3 =	por p4, p3  }
0xd: {  	s21 =	sadd.s32 s31, s3;
	s7 =	sadd.s32 $0x18800, s12;
	s8 =	sadd.s32 $0x40800, s12  }
0xe: {  	s9 =	sadd.s32 $0x67A00, s12;
	s10 =	smax.u32 s11, $0x1;
	s11 =	simm.s32 $0x2  }
0xf: {  	s12 =	simm.s32 $0x2800;
	s6 =	sadd.s32 s6, s5;
	s14 =	sshrl.u32 s21, $0x3  }
0x10: {  	s18 =	sshrl.u32 @!p0 s21, $0x3;
	s19 =	sshrl.u32 @!p1 s21, $0x3;
	s20 =	sshrl.u32 @!p2 s21, $0x3  }
0x11: {  	s21 =	sshrl.u32 @!p3 s21, $0x3;
	s5 =	sadd.s32 $0xE800, s6;
	s6 =	sadd.s32 $0x4800, s6  }
.LBB2_1:
0x12: {  	[tilespmem:s4], [sflag:$0x2] =	stream.linear.gather [hbm4b:s5+s4], $0x2800, $0x38;
	[tilespmem:$0x1D000] =	vst v63  }
0x13: {  	_ =	swait.ge [sflag:s11], $0x2800  }
0x14: {  	[sflag:s11] =	ssyncset.done $0x0  }
0x15: {  	[sflag:s11] =	ssyncadd.s32 $0xFFFFD800  }
0x16: {  	[tilespmem:s12], [sflag:$0x2] =	stream.linear.gather [hbm4b:s6+s4], $0x2800, $0x38;
	[tilespmem:$0x1D000] =	vst v63  }
0x17: {  	_ =	swait.ge [sflag:s11], $0x2800  }
0x18: {  	[sflag:s11] =	ssyncset.done $0x0  }
0x19: {  	[sflag:s11] =	ssyncadd.s32 $0xFFFFD800  }
0x1a: {  	[spmem:s14], [sflag:s13] =	dma.local [hbm:s7], $0x2800  }
0x1b: {  	_ =	swait.ge [sflag:s11], $0x2800  }
0x1c: {  	[sflag:s11] =	ssyncset.done $0x0  }
0x1d: {  	[sflag:s11] =	ssyncadd.s32 $0xFFFFD800  }
0x1e: {  	s23 =	simm.s32 $0x0;
	[bflag:$0x0] =	sbarrier.arrive $0xFFFF  }
0x1f: {  	[tilespmem:s16], [sflag:$0x1] =	stream.indirect.gather [hbm4b:s1+s15], $0x80, s23, s15, $0xb8;
	[tilespmem:$0x1D000] =	vst v63  }
0x20: {  	_ =	swait.ge [sflag:s17], $0x3E80  }
0x21: {  	[sflag:s17] =	ssyncset.done $0x0  }
0x22: {  	s31 =	simm.s32 $0x2800;
	[sflag:s17] =	ssyncadd.s32 $0xFFFFC180  }
0x23: {  	[spmem:s3] =	stream.indirect.scatter.add.f32 [tilespmem:s16], [sflag:$0x2], $0x80, s31, s15, $0xb8;
	[tilespmem:$0x1D000] =	vst v63  }
0x24: {  	_ =	swait.ge [sflag:s11], $0x3E80  }
0x25: {  	s24 =	simm.s32 $0x400;
	s23 =	simm.s32 $0x200;
	[sflag:s11] =	ssyncset.done $0x0  }
.LBB2_2:
0x26: {  	s25 =	sshra.s32 s23, $0x2  }
0x27: {  	[sflag:s11] =	ssyncadd.s32 $0xFFFFC180;
	s23 =	smov.u32 s24;
	s26 =	sadd.s32 $0x200, s24  }
0x28: {  	[tilespmem:s16], [sflag:$0x1] =	stream.indirect.gather [hbm4b:s1+s15], $0x80, s25, s15, $0xb8;
	[tilespmem:$0x1D000] =	vst v63  }
0x29: {  	p4 =	sne.s32 s24, $0x9E00;
	_ =	swait.ge [sflag:s17], $0x3E80  }
.Ltmp0:
0x2a: {  	[sflag:s17] =	ssyncset.done $0x0;
	(pc) =	sbr.rel @p4 .LBB2_2-.Ltmp0, $4  }
0x2b: {  	s24 =	sadd.s32 $0x2800, s25;
	[sflag:s17] =	ssyncadd.s32 $0xFFFFC180  }
0x2c: {  	[spmem:s3] =	stream.indirect.scatter.add.f32 [tilespmem:s16], [sflag:$0x2], $0x80, s24, s15, $0xb8;
	[tilespmem:$0x1D000] =	vst v63  }
0x2d: {  	_ =	swait.ge [sflag:s11], $0x3E80  }
0x2e: {  	s24 =	smov.u32 s26;
	[sflag:s11] =	ssyncset.done $0x0  }
0x2f: {  	s23 =	sshra.s32 s23, $0x2;
	[sflag:s11] =	ssyncadd.s32 $0xFFFFC180  }
0x30: {  	[tilespmem:s16], [sflag:$0x1] =	stream.indirect.gather [hbm4b:s1+s15], $0x80, s23, s15, $0xb8;
	[tilespmem:$0x1D000] =	vst v63  }
0x31: {  	_ =	swait.ge [sflag:s17], $0x3E80  }
0x32: {  	[sflag:s17] =	ssyncset.done $0x0  }
0x33: {  	s23 =	sadd.s32 $0x2800, s23;
	[sflag:s17] =	ssyncadd.s32 $0xFFFFC180  }
0x34: {  	[spmem:s3] =	stream.indirect.scatter.add.f32 [tilespmem:s16], [sflag:$0x2], $0x80, s23, s15, $0xb8;
	[tilespmem:$0x1D000] =	vst v63  }
0x35: {  	_ =	swait.ge [sflag:s11], $0x3E80  }
0x36: {  	[sflag:s11] =	ssyncset.done $0x0  }
0x37: {  	[sflag:s11] =	ssyncadd.s32 $0xFFFFC180  }
0x38: {  	s23 =	simm.s32 @!p0 $0x2;
	[bflag:$0x0] =	sbarrier.arrive $0xFFFF  }
0x39: {  	[hbm:s9], [sflag:s13] =	dma.local @!p0 [spmem:s18], $0x1900  }
0x3a: {  	_ =	swait.ge @!p0 [sflag:s23], $0x1900  }
0x3b: {  	[sflag:s23] =	ssyncset.done @!p0 $0x0  }
0x3c: {  	[sflag:s23] =	ssyncadd.s32 @!p0 $0xFFFFE700;
	s23 =	simm.s32 @!p1 $0x2  }
0x3d: {  	[hbm:s9], [sflag:s13] =	dma.local @!p1 [spmem:s19], $0x2800  }
0x3e: {  	_ =	swait.ge @!p1 [sflag:s23], $0x2800  }
0x3f: {  	[sflag:s23] =	ssyncset.done @!p1 $0x0  }
0x40: {  	[sflag:s23] =	ssyncadd.s32 @!p1 $0xFFFFD800;
	s23 =	simm.s32 @!p2 $0x2  }
0x41: {  	[hbm:s8], [sflag:s13] =	dma.local @!p2 [spmem:s20], $0x1900  }
0x42: {  	s22 =	sadd.s32 $0x1, s22;
	_ =	swait.ge @!p2 [sflag:s23], $0x1900  }
0x43: {  	p4 =	sne.s32 s22, s10;
	[sflag:s23] =	ssyncset.done @!p2 $0x0  }
.Ltmp1:
0x44: {  	[sflag:s23] =	ssyncadd.s32 @!p2 $0xFFFFE700;
	s23 =	simm.s32 @!p3 $0x2;
	(pc) =	sbr.rel @p4 .LBB2_1-.Ltmp1, $4  }
0x45: {  	[hbm:s8], [sflag:s13] =	dma.local @!p3 [spmem:s21], $0x2800  }
0x46: {  	_ =	swait.ge @!p3 [sflag:s23], $0x2800  }
0x47: {  	[sflag:s23] =	ssyncset.done @!p3 $0x0  }
0x48: {  	[sflag:s23] =	ssyncadd.s32 @!p3 $0xFFFFD800  }
0x49: {  	_ =	sfence.sel $0x180000  }
0x4a: {  	[bflag:$0x0] =	sbarrier.arrive $0xFFFF  }
0x4b: {  	p0 =	sne.s32 s0, $0x0;
	_ =	strace $0x90000047  }
0x4c: {  	s0 =	sadd.s32 @!p0 $0x100000, s2;
	[bflag:$0x2] =	sbarrier.arrive $0xFFFF  }
0x4d: {  	[sflag:s0] =	ssyncadd.tile.s32 @!p0 $0x1;
	_ =	shalt  }
.Lfunc_end2:
_tile_overlayer_lowered:
.L_overlay_start_2:
0x4e: {  	(tag) =	ssettag $0x2  }
0x4f: {  	s0 =	rddreg [dreg:$0x0];
	s2 =	stileid.u32  }
0x50: {  	s1 =	rddreg [dreg:$0x1];
	p0 =	sne.s32 s2, $0x0  }
0x51: {  	s3 =	rddreg [dreg:$0x2];
	[bflag:$0x3] =	sbarrier.arrive $0xFFFF;
	s2 =	simm.s32 @!p0 $0x1C02  }
0x52: {  	[timem:s3], [sflag:s2] =	dma.local @!p0 [hbm:s0], s1  }
0x53: {  	s0 =	simm.s32 @!p0 $0x2  }
0x54: {  	_ =	swait.ge @!p0 [sflag:s0], s1  }
0x55: {  	s1 =	ssub.s32 @!p0 $0x0, s1;
	[sflag:s0] =	ssyncset.done @!p0 $0x0  }
0x56: {  	[sflag:s0] =	ssyncadd.s32 @!p0 s1  }
0x57: {  	[bflag:$0x3] =	sbarrier.arrive $0xFFFF  }
0x58: {  	_ =	shalt  }

// kernel: kernel.13.cloned.1.call-start
scs
__scs_entry_jumppad:
0x0: {  	(pc) =	sbr.rel $0x88, $3  }
0x1: {  	(tag) =	ssettag $0x0;
	lr =	simm.s32 $0x1  }
0x2: {  	[smem:$0x3F92] =	sst lr;
	_ =	strace $0xD0000000  }
0x3: {  	_ = 	snop  }
0x4: {  	_ = 	snop  }
0x5: {  	_ = 	snop  }
0x6: {  	_ = 	snop  }
0x7: {  	_ = 	snop  }
__scs_overlays_trampoline_lowered:
0x8: {  	[smem:$0x3FA1] =	sst s0  }
0x9: {  	[smem:$0x3FA2] =	sst s1  }
0xa: {  	[smem:$0x3FA3] =	sst s2  }
0xb: {  	[smem:$0x3FA4] =	sst s3  }
0xc: {  	[smem:$0x3FA5] =	sst s4  }
0xd: {  	[smem:$0x3FA6] =	sst s5  }
0xe: {  	[smem:$0x3FA7] =	sst s6  }
0xf: {  	[smem:$0x3FA8] =	sst s7  }
0x10: {  	[smem:$0x3FA9] =	sst s8  }
0x11: {  	[smem:$0x3FAA] =	sst s9;
	s0 =	simm.s32 @!p0 $0x0  }
0x12: {  	s1 =	sld [smem:$0x3F90];
	s0 =	simm.s32 @p0 $0x1  }
0x13: {  	[smem:$0x3FAB] =	sst s0;
	s0 =	simm.s32 @!p1 $0x0  }
0x14: {  	s2 =	sld [smem:$0x3F8F];
	s0 =	simm.s32 @p1 $0x1  }
0x15: {  	[smem:$0x3FAC] =	sst s0;
	s0 =	simm.s32 @!p2 $0x0  }
0x16: {  	s3 =	sld [smem:$0x3FDB];
	s0 =	simm.s32 @p2 $0x1  }
0x17: {  	s4 =	simm.s32 $0x1BF5;
	[smem:$0x3FAE] =	sst s0  }
0x18: {  	s0 =	sld [smem:$0x3F91];
	_ =	swait.ge [sflag:s4], $0x0  }
0x19: {  	s7 =	sld [smem:$0x3F92]  }
0x1a: {  	s8 =	sadd.s32 $0xFFFFE003, lr  }
0x1b: {  	s9 =	sadd.s32 $0xFFFFFEF7, lr;
	s5 =	simm.s32 $0xFFFFFFFF;
	p2 =	slt.u32 s8, $0xFFFFF086  }
0x1c: {  	p1 =	slt.u32 s9, $0xF7A;
	s5 =	simm.s32 @!p2 $0x0  }
0x1d: {  	s5 =	simm.s32 @p1 $0x1;
	p0 =	seq.s32 s7, s2  }
0x1e: {  	s7 =	smul.u32 @!p0 $0xF7A, s2;
	p2 =	seq.s32 @!p0 s5, $0x0  }
0x1f: {  	s9 =	smul.u32 $0xF7A, s1;
	s8 =	simm.s32 @!p0 $0x1BF5;
	p2 =	por !p2, p0  }
0x20: {  	[sflag:s8] =	ssyncset.s32 @!p0 $0xFFFFF086;
	s6 =	sadd.s32 @!p0 s3, s7;
	s7 =	simm.s32 @!p0 $0x108  }
0x21: {  	s3 =	sadd.s32 s3, s9;
	s6 =	sadd.s32 @!p0 $0x88, s6;
	s7 =	simm.s32 @p2 $0x1082  }
0x22: {  	[simem:s7], [sflag:s8] =	dma.local @!p0 [hbm:s6], $0xF7A  }
0x23: {  	s9 =	sor.u32 $0xD0000000, s2;
	s6 =	simm.s32 $0x108;
	_ =	swait.ge @!p0 [sflag:s8], $0x0  }
0x24: {  	s3 =	sadd.s32 $0x88, s3;
	s6 =	simm.s32 @!p1 $0x1082;
	[sflag:s4] =	ssyncset.s32 $0xFFFFF086  }
0x25: {  	[simem:s6], [sflag:s4] =	dma.local [hbm:s3], $0xF7A  }
0x26: {  	[smem:$0x3F92] =	sst s1;
	(tag) =	ssettag s2;
	_ =	strace s9  }
0x27: {  	s1 =	sld [smem:$0x3FA2]  }
0x28: {  	s2 =	sld [smem:$0x3FA3]  }
0x29: {  	s4 =	sld [smem:$0x3FA5]  }
0x2a: {  	p0 =	seq.s32 s5, $0x0;
	s5 =	sld [smem:$0x3FA6]  }
0x2b: {  	s6 =	sld [smem:$0x3FA7]  }
0x2c: {  	s7 =	sld [smem:$0x3FA8]  }
0x2d: {  	s3 =	simm.s32 $0x108;
	s8 =	sld [smem:$0x3FA9]  }
0x2e: {  	s3 =	simm.s32 @!p0 $0x1082;
	s9 =	sld [smem:$0x3FAA]  }
0x2f: {  	lr =	sadd.s32 s0, s3;
	s0 =	sld [smem:$0x3FA1]  }
0x30: {  	s3 =	sld [smem:$0x3FA4]  }
0x31: {  	[smem:$0x3FAD] =	sst s10  }
0x32: {  	s10 =	sld [smem:$0x3FAB];
	_ =	sdelay $0x3  }
0x33: {  	p0 =	seq.s32 s10, $0x1;
	s10 =	sld [smem:$0x3FAD];
	_ =	sdelay $0x3  }
0x34: {  	[smem:$0x3FAD] =	sst s10  }
0x35: {  	s10 =	sld [smem:$0x3FAC];
	_ =	sdelay $0x3  }
0x36: {  	p1 =	seq.s32 s10, $0x1;
	s10 =	sld [smem:$0x3FAD];
	_ =	sdelay $0x3  }
0x37: {  	[smem:$0x3FAD] =	sst s10  }
0x38: {  	s10 =	sld [smem:$0x3FAE]  }
0x39: {  	_ = 	snop;
	(pc) =	sbr.ind lr, $3  }
0x3a: {  	_ = 	snop  }
0x3b: {  	_ = 	snop  }
0x3c: {  	p2 =	seq.s32 s10, $0x1;
	s10 =	sld [smem:$0x3FAD]  }
0x3d: {  	_ =	shalt  }
0x3e: {  	_ =	shalt  }
0x3f: {  	_ =	shalt  }
0x40: {  	_ =	shalt  }
0x41: {  	_ =	shalt  }
0x42: {  	_ =	shalt  }
0x43: {  	_ =	shalt  }
0x44: {  	_ =	shalt  }
0x45: {  	_ =	shalt  }
0x46: {  	_ =	shalt  }
0x47: {  	_ =	shalt  }
0x48: {  	_ =	shalt  }
0x49: {  	_ =	shalt  }
0x4a: {  	_ =	shalt  }
0x4b: {  	_ =	shalt  }
0x4c: {  	_ =	shalt  }
0x4d: {  	_ =	shalt  }
0x4e: {  	_ =	shalt  }
0x4f: {  	_ =	shalt  }
0x50: {  	_ =	shalt  }
0x51: {  	_ =	shalt  }
0x52: {  	_ =	shalt  }
0x53: {  	_ =	shalt  }
0x54: {  	_ =	shalt  }
0x55: {  	_ =	shalt  }
0x56: {  	_ =	shalt  }
0x57: {  	_ =	shalt  }
0x58: {  	_ =	shalt  }
0x59: {  	_ =	shalt  }
0x5a: {  	_ =	shalt  }
0x5b: {  	_ =	shalt  }
0x5c: {  	_ =	shalt  }
0x5d: {  	_ =	shalt  }
0x5e: {  	_ =	shalt  }
0x5f: {  	_ =	shalt  }
0x60: {  	_ =	shalt  }
0x61: {  	_ =	shalt  }
0x62: {  	_ =	shalt  }
0x63: {  	_ =	shalt  }
0x64: {  	_ =	shalt  }
0x65: {  	_ =	shalt  }
0x66: {  	_ =	shalt  }
0x67: {  	_ =	shalt  }
0x68: {  	_ =	shalt  }
0x69: {  	_ =	shalt  }
0x6a: {  	_ =	shalt  }
0x6b: {  	_ =	shalt  }
0x6c: {  	_ =	shalt  }
0x6d: {  	_ =	shalt  }
0x6e: {  	_ =	shalt  }
0x6f: {  	_ =	shalt  }
0x70: {  	_ =	shalt  }
0x71: {  	_ =	shalt  }
0x72: {  	_ =	shalt  }
0x73: {  	_ =	shalt  }
0x74: {  	_ =	shalt  }
0x75: {  	_ =	shalt  }
0x76: {  	_ =	shalt  }
0x77: {  	_ =	shalt  }
0x78: {  	_ =	shalt  }
0x79: {  	_ =	shalt  }
0x7a: {  	_ =	shalt  }
0x7b: {  	_ =	shalt  }
0x7c: {  	_ =	shalt  }
0x7d: {  	_ =	shalt  }
0x7e: {  	_ =	shalt  }
0x7f: {  	_ =	shalt  }
0x80: {  	_ =	shalt  }
0x81: {  	_ =	shalt  }
0x82: {  	_ =	shalt  }
0x83: {  	_ =	shalt  }
0x84: {  	_ =	shalt  }
0x85: {  	_ =	shalt  }
0x86: {  	_ =	shalt  }
0x87: {  	_ =	shalt  }
.Lfunc_end0:
.L_simem_size_0:
called_computation.2_lowered:
.L_overlay_start_0:
0x88: {  	s2 =	sld [smem:$0x3FD9]  }
0x89: {  	s3 =	sld [smem:$0x3FFE];
	_ =	sdelay $0x1  }
0x8a: {  	s1 =	srdreg.scid  }
0x8b: {  	s0 =	sand.u32 $0x1, s1  }
0x8c: {  	s16 =	sshll.u32 s0, $0xA;
	s2 =	sadd.s32 s3, s2  }
0x8d: {  	s2 =	sadd.s32 s2, s16  }
0x8e: {  	[smem:$0x3FB9] =	sst s2  }
0x8f: {  	_ = 	snop  }
0x90: {  	(tm) =	ssettm $0x1  }
0x91: {  	s17 =	sld [smem:$0x3FFB];
	_ =	sdelay $0x3  }
0x92: {  	_ =	strace s17  }
0x93: {  	s2 =	sld [smem:$0x3FFC];
	_ =	sdelay $0x3  }
0x94: {  	_ =	strace s2  }
0x95: {  	s2 =	sld [smem:$0x3FFD];
	_ =	sdelay $0x3  }
0x96: {  	_ =	strace s2  }
0x97: {  	_ =	strace $0x8FFFFFFF  }
0x98: {  	s18 =	sld [smem:$0x3FDB];
	_ =	sdelay $0x1  }
0x99: {  	s19 =	simm.s32 $_scs_section_size  }
0x9a: {  	s4 =	simm.s32 $_size__tile_overlayer_lowered;
	s5 =	simm.s32 $_tile_overlayer_lowered  }
0x9b: {  	s22 =	simm.s32 $0x1BFF;
	s21 =	sshll.u32 s5, $0x1;
	s2 =	sadd.s32 s19, s18  }
0x9c: {  	s6 =	simm.s32 $0x0;
	s20 =	sshll.u32 s4, $0x1;
	s4 =	sadd.s32 s21, s2  }
0x9d: {  	[timem:s6], [sflag:s22] =	dma.local [hbm:s4], s20  }
0x9e: {  	_ =	swait.ge [sflag:s22], s20  }
0x9f: {  	s3 =	ssub.s32 $0x0, s20;
	[sflag:s22] =	ssyncset.done $0x0  }
0xa0: {  	[sflag:s22] =	ssyncadd.s32 s3;
	_ =	sdelay $0x1  }
0xa1: {  	s23 =	simm.s32 $0x1B8B  }
0xa2: {  	_ =	swait.ge [sflag:s23], $0x1  }
0xa3: {  	[sflag:s23] =	ssyncset.done $0x0  }
0xa4: {  	s25 =	simm.s32 $0x1B8E;
	s24 =	sld [smem:$0x3FFE];
	[sflag:s23] =	ssyncadd.s32 $0xFFFFFFFF  }
0xa5: {  	s26 =	simm.s32 $execute0_lowered;
	[smem:$0x3FD2] =	sst s25  }
0xa6: {  	s4 =	sshll.u32 s26, $0x1;
	_ =	strace $0x8000004C;
	[dreg:$0x1] =	wrdreg $0xFFFFFFFF  }
0xa7: {  	s28 =	simm.s32 $_size_execute0_lowered;
	s2 =	sadd.s32 s2, s4;
	[dreg:$0x0] =	wrdreg $0x0  }
0xa8: {  	s4 =	sshll.u32 s28, $0x1;
	[dreg:$0x2] =	wrdreg s2  }
0xa9: {  	[dreg:$0x3] =	wrdreg s4  }
0xaa: {  	[dreg:$0x4] =	wrdreg $0xC0  }
0xab: {  	_ =	task [dreg:s6], $0x5FFFF  }
0xac: {  	[dreg:$0x1] =	wrdreg $0xFFFFFFFF  }
0xad: {  	[dreg:$0x0] =	wrdreg $0x60  }
0xae: {  	[dreg:$0x2] =	wrdreg s24  }
0xaf: {  	[dreg:$0x3] =	wrdreg $0x90000  }
0xb0: {  	[dreg:$0x4] =	wrdreg $0x9  }
0xb1: {  	_ =	task.clear_ibuf [dreg:s6], $0x5FFFF;
	_ =	strace $0x9000004C  }
0xb2: {  	s29 =	simm.s32 $0x9;
	_ =	strace $0x8000004E  }
0xb3: {  	_ =	swait.ge [sflag:s29], $0x1  }
0xb4: {  	[sflag:s29] =	ssyncadd.s32 $0xFFFFFFFF  }
0xb5: {  	_ =	strace $0x9000004E  }
0xb6: {  	_ =	sfence  }
0xb7: {  	s30 =	sld [smem:$0x0];
	_ =	sdelay $0x2  }
0xb8: {  	s31 =	sshll.u32 s1, $0xD;
	s1 =	sshrl.u32 s1, $0x2  }
0xb9: {  	s3 =	sand.u32 $0x4000, s31;
	s1 =	sadd.s32 s1, s30  }
0xba: {  	s0 =	sor.u32 s3, s0;
	s1 =	sshll.u32 s1, $0x11  }
0xbb: {  	s0 =	sor.u32 s1, s0  }
0xbc: {  	s0 =	sadd.s32 $0x8F2B, s0  }
0xbd: {  	[sflag:s0] =	ssyncadd.remote.s32 $0x1  }
0xbe: {  	_ =	sfence.sel $0xFFFF  }
0xbf: {  	[dreg:$0x0] =	wrdreg $0xFFFFFFFF;
	(pc) =	sbr.abs _section_cstart, $3  }
0xc0: {  	[dreg:$0x1] =	wrdreg $0xFFFFFFFF  }
0xc1: {  	_ =	task.clear_ibuf [dreg:s6], $0x2FFFF;
	_ =	strace $0x9FFFFFFF  }
0xc2: {  	(tm) =	ssettm $0x7FFFFFFF  }
0xc3: {  	_ =	shalt  }
tec
execute0_lowered:
.L_overlay_start_1:
0x0: {  	(tag) =	ssettag $0x1  }
0x1: {  	s5 =	rddreg [dreg:$0x0]  }
0x2: {  	s0 =	srdreg.scid;
	s2 =	rddreg [dreg:$0x1]  }
0x3: {  	s3 =	simm.s32 $0x0;
	s15 =	simm.s32 $0x7D;
	s16 =	simm.s32 $0x5000  }
0x4: {  	s17 =	simm.s32 $0x1;
	s8 =	sand.u32 $0x1, s0;
	s0 =	stileid.u32  }
0x5: {  	s22 =	simm.s32 $0x0;
	[smem:$0x7FF] =	sst s3;
	s7 =	smul.u32 $0x2800, s0  }
0x6: {  	s1 =	sshll.u32 s8, $0x4;
	s9 =	ssub.s32 $0x2, s8;
	s10 =	smul.u32 $0x50000, s0  }
0x7: {  	p3 =	seq.s32 s8, $0x1;
	s13 =	sshll.u32 s0, $0x6;
	s4 =	sor.u32 s0, s1  }
0x8: {  	s1 =	rddreg [dreg:$0x2];
	_ =	strace $0x8000004D;
	s11 =	sshrl.u32 s9, $0x1  }
0x9: {  	s13 =	sor.u32 $0x1C02, s13;
	p1 =	seq.s32 @p3 s0, $0xF;
	p4 =	seq.s32 @!p3 s0, $0xF  }
0xa: {  	s6 =	smul.u32 $0x500, s4;
	s4 =	sadd.s32 $0x40800, s5;
	s12 =	sadd.s32 s7, s5  }
0xb: {  	s11 =	ssub.s32 s9, s11;
	s31 =	sshrl.u32 s10, $0x2;
	p0 =	por !p1, !p3  }
0xc: {  	p1 =	por p1, !p3;
	p2 =	por !p4, p3;
	p3 =	por p4, p3  }
0xd: {  	s21 =	sadd.s32 s31, s2;
	s7 =	sadd.s32 $0x18800, s12;
	s8 =	sadd.s32 $0x67A00, s12  }
0xe: {  	s9 =	sadd.s32 $0x8EC00, s12;
	s10 =	smax.u32 s11, $0x1;
	s11 =	simm.s32 $0x2  }
0xf: {  	s12 =	simm.s32 $0x2800;
	s6 =	sadd.s32 s6, s5;
	s14 =	sshrl.u32 s21, $0x3  }
0x10: {  	s18 =	sshrl.u32 @!p0 s21, $0x3;
	s19 =	sshrl.u32 @!p1 s21, $0x3;
	s20 =	sshrl.u32 @!p2 s21, $0x3  }
0x11: {  	s21 =	sshrl.u32 @!p3 s21, $0x3;
	s5 =	sadd.s32 $0xE800, s6;
	s6 =	sadd.s32 $0x4800, s6  }
.LBB2_1:
0x12: {  	[tilespmem:s3], [sflag:$0x2] =	stream.linear.gather [hbm4b:s5+s3], $0x2800, $0x38;
	[tilespmem:$0x1D000] =	vst v63  }
0x13: {  	_ =	swait.ge [sflag:s11], $0x2800  }
0x14: {  	[sflag:s11] =	ssyncset.done $0x0  }
0x15: {  	[sflag:s11] =	ssyncadd.s32 $0xFFFFD800  }
0x16: {  	[tilespmem:s12], [sflag:$0x2] =	stream.linear.gather [hbm4b:s6+s3], $0x2800, $0x38;
	[tilespmem:$0x1D000] =	vst v63  }
0x17: {  	_ =	swait.ge [sflag:s11], $0x2800  }
0x18: {  	[sflag:s11] =	ssyncset.done $0x0  }
0x19: {  	[sflag:s11] =	ssyncadd.s32 $0xFFFFD800  }
0x1a: {  	[spmem:s14], [sflag:s13] =	dma.local [hbm:s7], $0x2800  }
0x1b: {  	_ =	swait.ge [sflag:s11], $0x2800  }
0x1c: {  	[sflag:s11] =	ssyncset.done $0x0  }
0x1d: {  	[sflag:s11] =	ssyncadd.s32 $0xFFFFD800  }
0x1e: {  	s23 =	simm.s32 $0x0;
	[bflag:$0x0] =	sbarrier.arrive $0xFFFF  }
0x1f: {  	[tilespmem:s16], [sflag:$0x1] =	stream.indirect.gather [hbm4b:s4+s15], $0x80, s23, s15, $0xb8;
	[tilespmem:$0x1D000] =	vst v63  }
0x20: {  	_ =	swait.ge [sflag:s17], $0x3E80  }
0x21: {  	[sflag:s17] =	ssyncset.done $0x0  }
0x22: {  	s31 =	simm.s32 $0x2800;
	[sflag:s17] =	ssyncadd.s32 $0xFFFFC180  }
0x23: {  	[spmem:s2] =	stream.indirect.scatter.add.f32 [tilespmem:s16], [sflag:$0x2], $0x80, s31, s15, $0xb8;
	[tilespmem:$0x1D000] =	vst v63  }
0x24: {  	_ =	swait.ge [sflag:s11], $0x3E80  }
0x25: {  	s24 =	simm.s32 $0x400;
	s23 =	simm.s32 $0x200;
	[sflag:s11] =	ssyncset.done $0x0  }
.LBB2_2:
0x26: {  	s25 =	sshra.s32 s23, $0x2  }
0x27: {  	[sflag:s11] =	ssyncadd.s32 $0xFFFFC180;
	s23 =	smov.u32 s24;
	s26 =	sadd.s32 $0x200, s24  }
0x28: {  	[tilespmem:s16], [sflag:$0x1] =	stream.indirect.gather [hbm4b:s4+s15], $0x80, s25, s15, $0xb8;
	[tilespmem:$0x1D000] =	vst v63  }
0x29: {  	p4 =	sne.s32 s24, $0x9E00;
	_ =	swait.ge [sflag:s17], $0x3E80  }
.Ltmp0:
0x2a: {  	[sflag:s17] =	ssyncset.done $0x0;
	(pc) =	sbr.rel @p4 .LBB2_2-.Ltmp0, $4  }
0x2b: {  	s24 =	sadd.s32 $0x2800, s25;
	[sflag:s17] =	ssyncadd.s32 $0xFFFFC180  }
0x2c: {  	[spmem:s2] =	stream.indirect.scatter.add.f32 [tilespmem:s16], [sflag:$0x2], $0x80, s24, s15, $0xb8;
	[tilespmem:$0x1D000] =	vst v63  }
0x2d: {  	_ =	swait.ge [sflag:s11], $0x3E80  }
0x2e: {  	s24 =	smov.u32 s26;
	[sflag:s11] =	ssyncset.done $0x0  }
0x2f: {  	s23 =	sshra.s32 s23, $0x2;
	[sflag:s11] =	ssyncadd.s32 $0xFFFFC180  }
0x30: {  	[tilespmem:s16], [sflag:$0x1] =	stream.indirect.gather [hbm4b:s4+s15], $0x80, s23, s15, $0xb8;
	[tilespmem:$0x1D000] =	vst v63  }
0x31: {  	_ =	swait.ge [sflag:s17], $0x3E80  }
0x32: {  	[sflag:s17] =	ssyncset.done $0x0  }
0x33: {  	s23 =	sadd.s32 $0x2800, s23;
	[sflag:s17] =	ssyncadd.s32 $0xFFFFC180  }
0x34: {  	[spmem:s2] =	stream.indirect.scatter.add.f32 [tilespmem:s16], [sflag:$0x2], $0x80, s23, s15, $0xb8;
	[tilespmem:$0x1D000] =	vst v63  }
0x35: {  	_ =	swait.ge [sflag:s11], $0x3E80  }
0x36: {  	[sflag:s11] =	ssyncset.done $0x0  }
0x37: {  	[sflag:s11] =	ssyncadd.s32 $0xFFFFC180  }
0x38: {  	s23 =	simm.s32 @!p0 $0x2;
	[bflag:$0x0] =	sbarrier.arrive $0xFFFF  }
0x39: {  	[hbm:s9], [sflag:s13] =	dma.local @!p0 [spmem:s18], $0x1900  }
0x3a: {  	_ =	swait.ge @!p0 [sflag:s23], $0x1900  }
0x3b: {  	[sflag:s23] =	ssyncset.done @!p0 $0x0  }
0x3c: {  	[sflag:s23] =	ssyncadd.s32 @!p0 $0xFFFFE700;
	s23 =	simm.s32 @!p1 $0x2  }
0x3d: {  	[hbm:s9], [sflag:s13] =	dma.local @!p1 [spmem:s19], $0x2800  }
0x3e: {  	_ =	swait.ge @!p1 [sflag:s23], $0x2800  }
0x3f: {  	[sflag:s23] =	ssyncset.done @!p1 $0x0  }
0x40: {  	[sflag:s23] =	ssyncadd.s32 @!p1 $0xFFFFD800;
	s23 =	simm.s32 @!p2 $0x2  }
0x41: {  	[hbm:s8], [sflag:s13] =	dma.local @!p2 [spmem:s20], $0x1900  }
0x42: {  	s22 =	sadd.s32 $0x1, s22;
	_ =	swait.ge @!p2 [sflag:s23], $0x1900  }
0x43: {  	p4 =	sne.s32 s22, s10;
	[sflag:s23] =	ssyncset.done @!p2 $0x0  }
.Ltmp1:
0x44: {  	[sflag:s23] =	ssyncadd.s32 @!p2 $0xFFFFE700;
	s23 =	simm.s32 @!p3 $0x2;
	(pc) =	sbr.rel @p4 .LBB2_1-.Ltmp1, $4  }
0x45: {  	[hbm:s8], [sflag:s13] =	dma.local @!p3 [spmem:s21], $0x2800  }
0x46: {  	_ =	swait.ge @!p3 [sflag:s23], $0x2800  }
0x47: {  	[sflag:s23] =	ssyncset.done @!p3 $0x0  }
0x48: {  	[sflag:s23] =	ssyncadd.s32 @!p3 $0xFFFFD800  }
0x49: {  	_ =	sfence.sel $0x180000  }
0x4a: {  	[bflag:$0x0] =	sbarrier.arrive $0xFFFF  }
0x4b: {  	p0 =	sne.s32 s0, $0x0;
	_ =	strace $0x9000004D  }
0x4c: {  	s0 =	sadd.s32 @!p0 $0x100000, s1;
	[bflag:$0x2] =	sbarrier.arrive $0xFFFF  }
0x4d: {  	[sflag:s0] =	ssyncadd.tile.s32 @!p0 $0x1;
	_ =	shalt  }
.Lfunc_end2:
_tile_overlayer_lowered:
.L_overlay_start_2:
0x4e: {  	(tag) =	ssettag $0x2  }
0x4f: {  	s0 =	rddreg [dreg:$0x0];
	s2 =	stileid.u32  }
0x50: {  	s1 =	rddreg [dreg:$0x1];
	p0 =	sne.s32 s2, $0x0  }
0x51: {  	s3 =	rddreg [dreg:$0x2];
	[bflag:$0x3] =	sbarrier.arrive $0xFFFF;
	s2 =	simm.s32 @!p0 $0x1C02  }
0x52: {  	[timem:s3], [sflag:s2] =	dma.local @!p0 [hbm:s0], s1  }
0x53: {  	s0 =	simm.s32 @!p0 $0x2  }
0x54: {  	_ =	swait.ge @!p0 [sflag:s0], s1  }
0x55: {  	s1 =	ssub.s32 @!p0 $0x0, s1;
	[sflag:s0] =	ssyncset.done @!p0 $0x0  }
0x56: {  	[sflag:s0] =	ssyncadd.s32 @!p0 s1  }
0x57: {  	[bflag:$0x3] =	sbarrier.arrive $0xFFFF  }
0x58: {  	_ =	shalt  }

// kernel: kernel.7.cloned.1.call-start
scs
__scs_entry_jumppad:
0x0: {  	(pc) =	sbr.rel $0x88, $3  }
0x1: {  	(tag) =	ssettag $0x0;
	lr =	simm.s32 $0x1  }
0x2: {  	[smem:$0x3F92] =	sst lr;
	_ =	strace $0xD0000000  }
0x3: {  	_ = 	snop  }
0x4: {  	_ = 	snop  }
0x5: {  	_ = 	snop  }
0x6: {  	_ = 	snop  }
0x7: {  	_ = 	snop  }
__scs_overlays_trampoline_lowered:
0x8: {  	[smem:$0x3FA1] =	sst s0  }
0x9: {  	[smem:$0x3FA2] =	sst s1  }
0xa: {  	[smem:$0x3FA3] =	sst s2  }
0xb: {  	[smem:$0x3FA4] =	sst s3  }
0xc: {  	[smem:$0x3FA5] =	sst s4  }
0xd: {  	[smem:$0x3FA6] =	sst s5  }
0xe: {  	[smem:$0x3FA7] =	sst s6  }
0xf: {  	[smem:$0x3FA8] =	sst s7  }
0x10: {  	[smem:$0x3FA9] =	sst s8  }
0x11: {  	[smem:$0x3FAA] =	sst s9;
	s0 =	simm.s32 @!p0 $0x0  }
0x12: {  	s1 =	sld [smem:$0x3F90];
	s0 =	simm.s32 @p0 $0x1  }
0x13: {  	[smem:$0x3FAB] =	sst s0;
	s0 =	simm.s32 @!p1 $0x0  }
0x14: {  	s2 =	sld [smem:$0x3F8F];
	s0 =	simm.s32 @p1 $0x1  }
0x15: {  	[smem:$0x3FAC] =	sst s0;
	s0 =	simm.s32 @!p2 $0x0  }
0x16: {  	s3 =	sld [smem:$0x3FDB];
	s0 =	simm.s32 @p2 $0x1  }
0x17: {  	s4 =	simm.s32 $0x1BF5;
	[smem:$0x3FAE] =	sst s0  }
0x18: {  	s0 =	sld [smem:$0x3F91];
	_ =	swait.ge [sflag:s4], $0x0  }
0x19: {  	s7 =	sld [smem:$0x3F92]  }
0x1a: {  	s8 =	sadd.s32 $0xFFFFE003, lr  }
0x1b: {  	s9 =	sadd.s32 $0xFFFFFEF7, lr;
	s5 =	simm.s32 $0xFFFFFFFF;
	p2 =	slt.u32 s8, $0xFFFFF086  }
0x1c: {  	p1 =	slt.u32 s9, $0xF7A;
	s5 =	simm.s32 @!p2 $0x0  }
0x1d: {  	s5 =	simm.s32 @p1 $0x1;
	p0 =	seq.s32 s7, s2  }
0x1e: {  	s7 =	smul.u32 @!p0 $0xF7A, s2;
	p2 =	seq.s32 @!p0 s5, $0x0  }
0x1f: {  	s9 =	smul.u32 $0xF7A, s1;
	s8 =	simm.s32 @!p0 $0x1BF5;
	p2 =	por !p2, p0  }
0x20: {  	[sflag:s8] =	ssyncset.s32 @!p0 $0xFFFFF086;
	s6 =	sadd.s32 @!p0 s3, s7;
	s7 =	simm.s32 @!p0 $0x108  }
0x21: {  	s3 =	sadd.s32 s3, s9;
	s6 =	sadd.s32 @!p0 $0x88, s6;
	s7 =	simm.s32 @p2 $0x1082  }
0x22: {  	[simem:s7], [sflag:s8] =	dma.local @!p0 [hbm:s6], $0xF7A  }
0x23: {  	s9 =	sor.u32 $0xD0000000, s2;
	s6 =	simm.s32 $0x108;
	_ =	swait.ge @!p0 [sflag:s8], $0x0  }
0x24: {  	s3 =	sadd.s32 $0x88, s3;
	s6 =	simm.s32 @!p1 $0x1082;
	[sflag:s4] =	ssyncset.s32 $0xFFFFF086  }
0x25: {  	[simem:s6], [sflag:s4] =	dma.local [hbm:s3], $0xF7A  }
0x26: {  	[smem:$0x3F92] =	sst s1;
	(tag) =	ssettag s2;
	_ =	strace s9  }
0x27: {  	s1 =	sld [smem:$0x3FA2]  }
0x28: {  	s2 =	sld [smem:$0x3FA3]  }
0x29: {  	s4 =	sld [smem:$0x3FA5]  }
0x2a: {  	p0 =	seq.s32 s5, $0x0;
	s5 =	sld [smem:$0x3FA6]  }
0x2b: {  	s6 =	sld [smem:$0x3FA7]  }
0x2c: {  	s7 =	sld [smem:$0x3FA8]  }
0x2d: {  	s3 =	simm.s32 $0x108;
	s8 =	sld [smem:$0x3FA9]  }
0x2e: {  	s3 =	simm.s32 @!p0 $0x1082;
	s9 =	sld [smem:$0x3FAA]  }
0x2f: {  	lr =	sadd.s32 s0, s3;
	s0 =	sld [smem:$0x3FA1]  }
0x30: {  	s3 =	sld [smem:$0x3FA4]  }
0x31: {  	[smem:$0x3FAD] =	sst s10  }
0x32: {  	s10 =	sld [smem:$0x3FAB];
	_ =	sdelay $0x3  }
0x33: {  	p0 =	seq.s32 s10, $0x1;
	s10 =	sld [smem:$0x3FAD];
	_ =	sdelay $0x3  }
0x34: {  	[smem:$0x3FAD] =	sst s10  }
0x35: {  	s10 =	sld [smem:$0x3FAC];
	_ =	sdelay $0x3  }
0x36: {  	p1 =	seq.s32 s10, $0x1;
	s10 =	sld [smem:$0x3FAD];
	_ =	sdelay $0x3  }
0x37: {  	[smem:$0x3FAD] =	sst s10  }
0x38: {  	s10 =	sld [smem:$0x3FAE]  }
0x39: {  	_ = 	snop;
	(pc) =	sbr.ind lr, $3  }
0x3a: {  	_ = 	snop  }
0x3b: {  	_ = 	snop  }
0x3c: {  	p2 =	seq.s32 s10, $0x1;
	s10 =	sld [smem:$0x3FAD]  }
0x3d: {  	_ =	shalt  }
0x3e: {  	_ =	shalt  }
0x3f: {  	_ =	shalt  }
0x40: {  	_ =	shalt  }
0x41: {  	_ =	shalt  }
0x42: {  	_ =	shalt  }
0x43: {  	_ =	shalt  }
0x44: {  	_ =	shalt  }
0x45: {  	_ =	shalt  }
0x46: {  	_ =	shalt  }
0x47: {  	_ =	shalt  }
0x48: {  	_ =	shalt  }
0x49: {  	_ =	shalt  }
0x4a: {  	_ =	shalt  }
0x4b: {  	_ =	shalt  }
0x4c: {  	_ =	shalt  }
0x4d: {  	_ =	shalt  }
0x4e: {  	_ =	shalt  }
0x4f: {  	_ =	shalt  }
0x50: {  	_ =	shalt  }
0x51: {  	_ =	shalt  }
0x52: {  	_ =	shalt  }
0x53: {  	_ =	shalt  }
0x54: {  	_ =	shalt  }
0x55: {  	_ =	shalt  }
0x56: {  	_ =	shalt  }
0x57: {  	_ =	shalt  }
0x58: {  	_ =	shalt  }
0x59: {  	_ =	shalt  }
0x5a: {  	_ =	shalt  }
0x5b: {  	_ =	shalt  }
0x5c: {  	_ =	shalt  }
0x5d: {  	_ =	shalt  }
0x5e: {  	_ =	shalt  }
0x5f: {  	_ =	shalt  }
0x60: {  	_ =	shalt  }
0x61: {  	_ =	shalt  }
0x62: {  	_ =	shalt  }
0x63: {  	_ =	shalt  }
0x64: {  	_ =	shalt  }
0x65: {  	_ =	shalt  }
0x66: {  	_ =	shalt  }
0x67: {  	_ =	shalt  }
0x68: {  	_ =	shalt  }
0x69: {  	_ =	shalt  }
0x6a: {  	_ =	shalt  }
0x6b: {  	_ =	shalt  }
0x6c: {  	_ =	shalt  }
0x6d: {  	_ =	shalt  }
0x6e: {  	_ =	shalt  }
0x6f: {  	_ =	shalt  }
0x70: {  	_ =	shalt  }
0x71: {  	_ =	shalt  }
0x72: {  	_ =	shalt  }
0x73: {  	_ =	shalt  }
0x74: {  	_ =	shalt  }
0x75: {  	_ =	shalt  }
0x76: {  	_ =	shalt  }
0x77: {  	_ =	shalt  }
0x78: {  	_ =	shalt  }
0x79: {  	_ =	shalt  }
0x7a: {  	_ =	shalt  }
0x7b: {  	_ =	shalt  }
0x7c: {  	_ =	shalt  }
0x7d: {  	_ =	shalt  }
0x7e: {  	_ =	shalt  }
0x7f: {  	_ =	shalt  }
0x80: {  	_ =	shalt  }
0x81: {  	_ =	shalt  }
0x82: {  	_ =	shalt  }
0x83: {  	_ =	shalt  }
0x84: {  	_ =	shalt  }
0x85: {  	_ =	shalt  }
0x86: {  	_ =	shalt  }
0x87: {  	_ =	shalt  }
.Lfunc_end0:
.L_simem_size_0:
called_computation_lowered:
.L_overlay_start_0:
0x88: {  	s2 =	sld [smem:$0x3FD9]  }
0x89: {  	s3 =	sld [smem:$0x3FFE];
	_ =	sdelay $0x1  }
0x8a: {  	s1 =	srdreg.scid  }
0x8b: {  	s0 =	sand.u32 $0x1, s1  }
0x8c: {  	s17 =	sshll.u32 s0, $0xA;
	s2 =	sadd.s32 s3, s2  }
0x8d: {  	s2 =	sadd.s32 s2, s17  }
0x8e: {  	[smem:$0x3FB9] =	sst s2  }
0x8f: {  	_ = 	snop  }
0x90: {  	(tm) =	ssettm $0x1  }
0x91: {  	s18 =	sld [smem:$0x3FFB];
	_ =	sdelay $0x3  }
0x92: {  	_ =	strace s18  }
0x93: {  	s2 =	sld [smem:$0x3FFC];
	_ =	sdelay $0x3  }
0x94: {  	_ =	strace s2  }
0x95: {  	s2 =	sld [smem:$0x3FFD];
	_ =	sdelay $0x3  }
0x96: {  	_ =	strace s2  }
0x97: {  	_ =	strace $0x8FFFFFFF  }
0x98: {  	s19 =	sld [smem:$0x3FDB];
	_ =	sdelay $0x1  }
0x99: {  	s20 =	simm.s32 $_scs_section_size  }
0x9a: {  	s4 =	simm.s32 $_size__tile_overlayer_lowered;
	s5 =	simm.s32 $_tile_overlayer_lowered  }
0x9b: {  	s6 =	simm.s32 $0x1BFF;
	s21 =	sshll.u32 s5, $0x1;
	s3 =	sadd.s32 s20, s19  }
0x9c: {  	s22 =	simm.s32 $0x0;
	s4 =	sshll.u32 s4, $0x1;
	s5 =	sadd.s32 s21, s3  }
0x9d: {  	[timem:s22], [sflag:s6] =	dma.local [hbm:s5], s4  }
0x9e: {  	_ =	swait.ge [sflag:s6], s4  }
0x9f: {  	s4 =	ssub.s32 $0x0, s4;
	[sflag:s6] =	ssyncset.done $0x0  }
0xa0: {  	[sflag:s6] =	ssyncadd.s32 s4;
	_ =	sdelay $0x1  }
0xa1: {  	s23 =	simm.s32 $0x1B8B  }
0xa2: {  	_ =	swait.ge [sflag:s23], $0x1  }
0xa3: {  	[sflag:s23] =	ssyncset.done $0x0  }
0xa4: {  	[sflag:s23] =	ssyncadd.s32 $0xFFFFFFFF  }
0xa5: {  	s4 =	sld [smem:$0x0]  }
0xa6: {  	s5 =	sand.u32 $0xFFFFFFFE, s1  }
0xa7: {  	p0 =	sne.s32 s1, s5  }
0xa8: {  	s5 =	sshll.u32 @p0 s5, $0xE  }
0xa9: {  	s5 =	sadd.s32 @p0 $0x11B8D, s5;
	s6 =	sshll.u32 @p0 s4, $0x11  }
0xaa: {  	s5 =	sor.u32 @p0 s6, s5  }
0xab: {  	[sflag:s5] =	ssyncadd.remote.s32 @p0 $0x1;
	_ =	sdelay $0x1  }
0xac: {  	s5 =	simm.s32 @p0 $0x1B8D  }
0xad: {  	_ =	swait.eq @p0 [sflag:s5], $0x1  }
0xae: {  	[sflag:s5] =	ssyncadd.s32 @p0 $0xFFFFFFFF  }
0xaf: {  	s6 =	sshll.u32 @!p0 s1, $0xE  }
0xb0: {  	s6 =	sor.u32 @!p0 $0x4000, s6;
	s5 =	simm.s32 @!p0 $0x1B8D  }
0xb1: {  	s4 =	sshll.u32 @!p0 s4, $0x11;
	s6 =	sadd.s32 @!p0 $0x11B8D, s6;
	_ =	swait.eq @!p0 [sflag:s5], $0x1  }
0xb2: {  	s4 =	sor.u32 @!p0 s4, s6;
	[sflag:s5] =	ssyncadd.s32 @!p0 $0xFFFFFFFF  }
0xb3: {  	s25 =	simm.s32 $0x1B8E;
	s24 =	sld [smem:$0x3FFE];
	[sflag:s4] =	ssyncadd.remote.s32 @!p0 $0x1  }
0xb4: {  	s26 =	simm.s32 $execute0_lowered;
	[smem:$0x3FD2] =	sst s25  }
0xb5: {  	s5 =	sshll.u32 s26, $0x1;
	_ =	strace $0x80000049;
	[dreg:$0x1] =	wrdreg $0xFFFFFFFF  }
0xb6: {  	s28 =	simm.s32 $_size_execute0_lowered;
	s3 =	sadd.s32 s3, s5;
	[dreg:$0x0] =	wrdreg $0x0  }
0xb7: {  	s5 =	sshll.u32 s28, $0x1;
	[dreg:$0x2] =	wrdreg s3  }
0xb8: {  	[dreg:$0x3] =	wrdreg s5  }
0xb9: {  	[dreg:$0x4] =	wrdreg $0xC0  }
0xba: {  	_ =	task [dreg:s22], $0x5FFFF  }
0xbb: {  	[dreg:$0x1] =	wrdreg $0xFFFFFFFF  }
0xbc: {  	[dreg:$0x0] =	wrdreg $0x60  }
0xbd: {  	[dreg:$0x2] =	wrdreg s24  }
0xbe: {  	[dreg:$0x3] =	wrdreg $0x68000  }
0xbf: {  	[dreg:$0x4] =	wrdreg $0x9  }
0xc0: {  	_ =	task.clear_ibuf [dreg:s22], $0x5FFFF;
	_ =	strace $0x90000049  }
0xc1: {  	s29 =	simm.s32 $0x9;
	_ =	strace $0x8000004B  }
0xc2: {  	_ =	swait.ge [sflag:s29], $0x1  }
0xc3: {  	[sflag:s29] =	ssyncadd.s32 $0xFFFFFFFF  }
0xc4: {  	_ =	strace $0x9000004B  }
0xc5: {  	_ =	sfence  }
0xc6: {  	s30 =	sld [smem:$0x0];
	_ =	sdelay $0x2  }
0xc7: {  	s31 =	sshll.u32 s1, $0xD;
	s1 =	sshrl.u32 s1, $0x2  }
0xc8: {  	s4 =	sand.u32 $0x4000, s31;
	s1 =	sadd.s32 s1, s30  }
0xc9: {  	s0 =	sor.u32 s4, s0;
	s1 =	sshll.u32 s1, $0x11  }
0xca: {  	s0 =	sor.u32 s1, s0  }
0xcb: {  	s0 =	sadd.s32 $0x8F2B, s0  }
0xcc: {  	[sflag:s0] =	ssyncadd.remote.s32 $0x1  }
0xcd: {  	_ =	sfence.sel $0xFFFF  }
0xce: {  	[dreg:$0x0] =	wrdreg $0xFFFFFFFF;
	(pc) =	sbr.abs _section_cstart, $3  }
0xcf: {  	[dreg:$0x1] =	wrdreg $0xFFFFFFFF  }
0xd0: {  	_ =	task.clear_ibuf [dreg:s22], $0x2FFFF;
	_ =	strace $0x9FFFFFFF  }
0xd1: {  	(tm) =	ssettm $0x7FFFFFFF  }
tec
execute0_lowered:
.L_overlay_start_1:
0x0: {  	(tag) =	ssettag $0x1  }
0x1: {  	s5 =	rddreg [dreg:$0x0]  }
0x2: {  	s0 =	srdreg.scid;
	s2 =	rddreg [dreg:$0x1]  }
0x3: {  	s3 =	simm.s32 $0x0;
	s13 =	simm.s32 $0x2800;
	s14 =	simm.s32 $0x7D  }
0x4: {  	s19 =	simm.s32 $0x0;
	s7 =	sand.u32 $0x1, s0;
	s0 =	stileid.u32  }
0x5: {  	[smem:$0x7FF] =	sst s3;
	s1 =	sshll.u32 s7, $0x4;
	s6 =	smul.u32 $0x2800, s0  }
0x6: {  	s8 =	ssub.s32 $0x2, s7;
	s9 =	smul.u32 $0x50000, s0;
	p3 =	seq.s32 s7, $0x1  }
0x7: {  	s31 =	sshll.u32 s0, $0x6;
	s4 =	sor.u32 s0, s1;
	s1 =	rddreg [dreg:$0x2]  }
0x8: {  	_ =	strace $0x8000004A;
	s11 =	sshrl.u32 s8, $0x1;
	p1 =	seq.s32 @p3 s0, $0xF  }
0x9: {  	p4 =	seq.s32 @!p3 s0, $0xF;
	s4 =	smul.u32 $0x500, s4;
	s12 =	sadd.s32 s6, s5  }
0xa: {  	s11 =	ssub.s32 s8, s11;
	s30 =	sshrl.u32 s9, $0x2;
	p0 =	por !p1, !p3  }
0xb: {  	p1 =	por p1, !p3;
	p2 =	por !p4, p3;
	p3 =	por p4, p3  }
0xc: {  	s18 =	sadd.s32 s30, s2;
	s6 =	sadd.s32 $0x8F400, s12;
	s7 =	sadd.s32 $0xB7400, s12  }
0xd: {  	s8 =	sadd.s32 $0xDE600, s12;
	s9 =	smax.u32 s11, $0x1;
	s11 =	sor.u32 $0x1C01, s31  }
0xe: {  	s10 =	sadd.s32 s4, s5;
	s4 =	sadd.s32 $0x8EC00, s5;
	s12 =	sshrl.u32 s18, $0x3  }
0xf: {  	s15 =	sshrl.u32 @!p0 s18, $0x3;
	s16 =	sshrl.u32 @!p1 s18, $0x3;
	s17 =	sshrl.u32 @!p2 s18, $0x3  }
0x10: {  	s18 =	sshrl.u32 @!p3 s18, $0x3;
	s5 =	sadd.s32 $0x4800, s10;
	s10 =	simm.s32 $0x1  }
.LBB2_1:
0x11: {  	[tilespmem:s3], [sflag:$0x1] =	stream.linear.gather [hbm4b:s5+s3], $0x2800, $0x38;
	[tilespmem:$0x9000] =	vst v63  }
0x12: {  	_ =	swait.ge [sflag:s10], $0x2800  }
0x13: {  	[sflag:s10] =	ssyncset.done $0x0  }
0x14: {  	[sflag:s10] =	ssyncadd.s32 $0xFFFFD800  }
0x15: {  	[spmem:s12], [sflag:s11] =	dma.local [hbm:s6], $0x2800  }
0x16: {  	_ =	swait.ge [sflag:s10], $0x2800  }
0x17: {  	[sflag:s10] =	ssyncset.done $0x0  }
0x18: {  	[sflag:s10] =	ssyncadd.s32 $0xFFFFD800  }
0x19: {  	[tilespmem:s13], [sflag:$0x1] =	stream.linear.gather [hbm4b:s4+s3], $0x3E80, $0x38;
	[tilespmem:$0x9000] =	vst v63  }
0x1a: {  	_ =	swait.ge [sflag:s10], $0x3E80  }
0x1b: {  	[sflag:s10] =	ssyncset.done $0x0  }
0x1c: {  	[sflag:s10] =	ssyncadd.s32 $0xFFFFC180  }
0x1d: {  	s20 =	simm.s32 $0x0;
	[bflag:$0x0] =	sbarrier.arrive $0xFFFF  }
0x1e: {  	[spmem:s2] =	stream.indirect.scatter.add.f32 [tilespmem:s13], [sflag:$0x1], $0x10, s20, s14, $0xb8;
	[tilespmem:$0x9000] =	vst v63  }
0x1f: {  	_ =	swait.ge [sflag:s10], $0x7D0  }
0x20: {  	s20 =	simm.s32 $0x200;
	[sflag:s10] =	ssyncset.done $0x0  }
.LBB2_2:
0x21: {  	s21 =	sshra.s32 s20, $0x2;
	[sflag:s10] =	ssyncadd.s32 $0xFFFFF830;
	p4 =	sne.s32 s20, $0x9E00  }
0x22: {  	[spmem:s2] =	stream.indirect.scatter.add.f32 [tilespmem:s13], [sflag:$0x1], $0x10, s21, s14, $0xb8;
	[tilespmem:$0x9000] =	vst v63  }
.Ltmp0:
0x23: {  	_ = 	snop;
	(pc) =	sbr.rel @p4 .LBB2_2-.Ltmp0, $4  }
0x24: {  	_ = 	snop  }
0x25: {  	s20 =	sadd.s32 $0x200, s20  }
0x26: {  	_ =	swait.ge [sflag:s10], $0x7D0  }
0x27: {  	[sflag:s10] =	ssyncset.done $0x0  }
0x28: {  	[sflag:s10] =	ssyncadd.s32 $0xFFFFF830  }
0x29: {  	s20 =	simm.s32 @!p0 $0x1;
	[bflag:$0x0] =	sbarrier.arrive $0xFFFF  }
0x2a: {  	[hbm:s8], [sflag:s11] =	dma.local @!p0 [spmem:s15], $0x1900  }
0x2b: {  	_ =	swait.ge @!p0 [sflag:s20], $0x1900  }
0x2c: {  	[sflag:s20] =	ssyncset.done @!p0 $0x0  }
0x2d: {  	[sflag:s20] =	ssyncadd.s32 @!p0 $0xFFFFE700;
	s20 =	simm.s32 @!p1 $0x1  }
0x2e: {  	[hbm:s8], [sflag:s11] =	dma.local @!p1 [spmem:s16], $0x2800  }
0x2f: {  	_ =	swait.ge @!p1 [sflag:s20], $0x2800  }
0x30: {  	[sflag:s20] =	ssyncset.done @!p1 $0x0  }
0x31: {  	[sflag:s20] =	ssyncadd.s32 @!p1 $0xFFFFD800;
	s20 =	simm.s32 @!p2 $0x1  }
0x32: {  	[hbm:s7], [sflag:s11] =	dma.local @!p2 [spmem:s17], $0x1900  }
0x33: {  	s19 =	sadd.s32 $0x1, s19;
	_ =	swait.ge @!p2 [sflag:s20], $0x1900  }
0x34: {  	p4 =	sne.s32 s19, s9;
	[sflag:s20] =	ssyncset.done @!p2 $0x0  }
.Ltmp1:
0x35: {  	[sflag:s20] =	ssyncadd.s32 @!p2 $0xFFFFE700;
	s20 =	simm.s32 @!p3 $0x1;
	(pc) =	sbr.rel @p4 .LBB2_1-.Ltmp1, $4  }
0x36: {  	[hbm:s7], [sflag:s11] =	dma.local @!p3 [spmem:s18], $0x2800  }
0x37: {  	_ =	swait.ge @!p3 [sflag:s20], $0x2800  }
0x38: {  	[sflag:s20] =	ssyncset.done @!p3 $0x0  }
0x39: {  	[sflag:s20] =	ssyncadd.s32 @!p3 $0xFFFFD800  }
0x3a: {  	_ =	sfence.sel $0x180000  }
0x3b: {  	[bflag:$0x0] =	sbarrier.arrive $0xFFFF  }
0x3c: {  	p0 =	sne.s32 s0, $0x0;
	_ =	strace $0x9000004A  }
0x3d: {  	s0 =	sadd.s32 @!p0 $0x100000, s1;
	[bflag:$0x2] =	sbarrier.arrive $0xFFFF  }
0x3e: {  	[sflag:s0] =	ssyncadd.tile.s32 @!p0 $0x1;
	_ =	shalt  }
.Lfunc_end2:
_tile_overlayer_lowered:
.L_overlay_start_2:
0x3f: {  	(tag) =	ssettag $0x2  }
0x40: {  	s0 =	rddreg [dreg:$0x0];
	s2 =	stileid.u32  }
0x41: {  	s1 =	rddreg [dreg:$0x1];
	p0 =	sne.s32 s2, $0x0  }
0x42: {  	s3 =	rddreg [dreg:$0x2];
	[bflag:$0x3] =	sbarrier.arrive $0xFFFF;
	s2 =	simm.s32 @!p0 $0x1C01  }
0x43: {  	[timem:s3], [sflag:s2] =	dma.local @!p0 [hbm:s0], s1  }
0x44: {  	s0 =	simm.s32 @!p0 $0x1  }
0x45: {  	_ =	swait.ge @!p0 [sflag:s0], s1  }
0x46: {  	s1 =	ssub.s32 @!p0 $0x0, s1;
	[sflag:s0] =	ssyncset.done @!p0 $0x0  }
0x47: {  	[sflag:s0] =	ssyncadd.s32 @!p0 s1  }
0x48: {  	[bflag:$0x3] =	sbarrier.arrive $0xFFFF  }
0x49: {  	_ =	shalt  }

</sc_bundles>
